<compile_context>
chip_gen: v7x
topology: tpu7x:2x2x1
jax: 0.10.2.dev20260603
libtpu: 0.0.44.dev20260713+nightly
codegen_flags: <defaults>
</compile_context>

<pallas_src>
import functools

import jax
import jax.numpy as jnp
from jax import lax
from jax.experimental import pallas as pl
from jax.experimental.pallas import tpu as pltpu
from jax.experimental.pallas import tpu_sc as plsc

N_TOK = 8192
D = 768
E = 64
CAP = 2 * N_TOK // E
NSLOT = E * CAP
DUMP = NSLOT
BUF_ROWS = NSLOT + 8

TB = 1024
NB = N_TOK // TB

NC = 2
NS = 16
NW = NC * NS
TPW = N_TOK // NW
CHUNK = 64
KCH = TPW // CHUNK



def _router_body(x_ref, wg_ref, slot_d_ref, slot_c_ref, scale_ref, aux_ref,
                 cnt_ref, counts_ref, psum_ref):
    b = pl.program_id(0)

    @pl.when(b == 0)
    def _init():
        counts_ref[...] = jnp.zeros_like(counts_ref)
        psum_ref[...] = jnp.zeros_like(psum_ref)

    xb = x_ref[...]
    logits = jnp.dot(xb, wg_ref[...], preferred_element_type=jnp.float32)
    m = jnp.max(logits, axis=-1, keepdims=True)
    ex = jnp.exp(logits - m)
    s = jnp.sum(ex, axis=-1, keepdims=True)
    inv_s = 1.0 / s
    probs = ex * inv_s
    gate = inv_s[:, 0]

    lane = lax.broadcasted_iota(jnp.int32, (TB, E), 1)
    is_max = logits >= m
    eidx = jnp.min(jnp.where(is_max, lane, E), axis=-1)
    onehot = (lane == eidx[:, None]).astype(jnp.float32)

    SUB = 128
    ri = lax.broadcasted_iota(jnp.int32, (SUB, SUB), 0)
    ci = lax.broadcasted_iota(jnp.int32, (SUB, SUB), 1)
    tril = (ri >= ci).astype(jnp.float32)
    off = counts_ref[...]
    pieces = []
    for p in range(TB // SUB):
        cs_p = jnp.dot(tril, onehot[p * SUB:(p + 1) * SUB],
                       preferred_element_type=jnp.float32) + off
        pieces.append(cs_p)
        off = cs_p[SUB - 1:SUB, :]
    csum = jnp.concatenate(pieces, axis=0)
    pos = (jnp.sum(csum * onehot, axis=-1) - 1.0).astype(jnp.int32)

    counts_ref[...] = off
    psum_ref[...] = psum_ref[...] + jnp.sum(probs, axis=0, keepdims=True)

    keep = pos < CAP
    slot = eidx * CAP + jnp.minimum(pos, CAP - 1)
    slot_d_ref[...] = jnp.where(keep, slot, DUMP)[None, None, :]
    slot_c_ref[...] = jnp.where(keep, slot, 0)[None, None, :]
    scale_ref[...] = jnp.where(keep, gate, 0.0)[None, None, :]

    @pl.when(b == NB - 1)
    def _aux():
        frac = counts_ref[...] / float(N_TOK)
        pmean = psum_ref[...] / float(N_TOK)
        aux_ref[...] = (float(E) * jnp.sum(frac * pmean)).reshape(1, 1)
        cnt_ref[...] = counts_ref[...].astype(jnp.int32)


def _run_router(x, Wg):
    return pl.pallas_call(
        _router_body,
        grid=(NB,),
        in_specs=[
            pl.BlockSpec((TB, D), lambda b: (b, 0)),
            pl.BlockSpec((D, E), lambda b: (0, 0)),
        ],
        out_specs=[
            pl.BlockSpec((1, 1, TB), lambda b: (b, 0, 0)),
            pl.BlockSpec((1, 1, TB), lambda b: (b, 0, 0)),
            pl.BlockSpec((1, 1, TB), lambda b: (b, 0, 0)),
            pl.BlockSpec((1, 1), lambda b: (0, 0)),
            pl.BlockSpec((1, E), lambda b: (0, 0)),
        ],
        out_shape=[
            jax.ShapeDtypeStruct((NB, 1, TB), jnp.int32),
            jax.ShapeDtypeStruct((NB, 1, TB), jnp.int32),
            jax.ShapeDtypeStruct((NB, 1, TB), jnp.float32),
            jax.ShapeDtypeStruct((1, 1), jnp.float32),
            jax.ShapeDtypeStruct((1, E), jnp.int32),
        ],
        scratch_shapes=[
            pltpu.VMEM((1, E), jnp.float32),
            pltpu.VMEM((1, E), jnp.float32),
        ],
        compiler_params=pltpu.CompilerParams(
            dimension_semantics=("arbitrary",)),
    )(x, Wg)



def _dispatch_body(x_hbm, slot_hbm, buf_hbm, idx_v, rows0, rows1,
                   si0, si1, ss0, ss1):
    wid = lax.axis_index("s") * NC + lax.axis_index("c")
    base = wid * TPW
    pltpu.sync_copy(slot_hbm.at[wid], idx_v)
    rows = (rows0, rows1)
    sin = (si0, si1)
    ssc = (ss0, ss1)
    cps = {}
    scs = {}
    for j in range(KCH):
        p = j % 2
        if j >= 2:
            scs[j - 2].wait()
        cps[j] = pltpu.async_copy(
            x_hbm.at[pl.ds(base + j * CHUNK, CHUNK)], rows[p], sin[p])
        cps[j].wait()
        scs[j] = pltpu.async_copy(rows[p], buf_hbm.at[idx_v.at[j]], ssc[p])
    scs[KCH - 2].wait()
    scs[KCH - 1].wait()


def _run_dispatch(x, slot_d):
    k = functools.partial(
        pl.kernel,
        mesh=plsc.VectorSubcoreMesh(core_axis_name="c", subcore_axis_name="s"),
        out_type=jax.ShapeDtypeStruct((BUF_ROWS, D), jnp.float32),
        scratch_types=[
            pltpu.VMEM((KCH, CHUNK), jnp.int32),
            pltpu.VMEM((CHUNK, D), jnp.float32),
            pltpu.VMEM((CHUNK, D), jnp.float32),
            pltpu.SemaphoreType.DMA,
            pltpu.SemaphoreType.DMA,
            pltpu.SemaphoreType.DMA,
            pltpu.SemaphoreType.DMA,
        ],
    )(_dispatch_body)
    return k(x, slot_d)



FB = 128
NK = CAP // FB


def _ffn_compute(xb, w1_ref, b1_ref, w2_ref, b2_ref, e):
    w1 = w1_ref[0].astype(jnp.bfloat16)
    h = jnp.dot(xb.astype(jnp.bfloat16), w1,
                preferred_element_type=jnp.float32)
    h = jnp.maximum(h + b1_ref[pl.ds(e, 1), :], 0.0)
    w2 = w2_ref[0].astype(jnp.bfloat16)
    y = jnp.dot(h.astype(jnp.bfloat16), w2,
                preferred_element_type=jnp.float32)
    return y + b2_ref[pl.ds(e, 1), :]


def _ffn_body(cnt_ref, buf_ref, w1_ref, b1_ref, w2_ref, b2_ref, out_ref):
    e = pl.program_id(0)
    cnt = cnt_ref[e]

    @pl.when(cnt > FB)
    def _full():
        out_ref[...] = _ffn_compute(buf_ref[...],
                                    w1_ref, b1_ref, w2_ref, b2_ref, e)

    @pl.when(jnp.logical_and(cnt > 0, cnt <= FB))
    def _half():
        out_ref[:FB] = _ffn_compute(buf_ref[:FB],
                                    w1_ref, b1_ref, w2_ref, b2_ref, e)


def _run_ffn(cnt, buf, W1, b1, W2, b2):
    grid_spec = pltpu.PrefetchScalarGridSpec(
        num_scalar_prefetch=1,
        grid=(E,),
        in_specs=[
            pl.BlockSpec((CAP, D), lambda e, c: (e, 0)),
            pl.BlockSpec((1, D, D), lambda e, c: (e, 0, 0)),
            pl.BlockSpec((E, D), lambda e, c: (0, 0)),
            pl.BlockSpec((1, D, D), lambda e, c: (e, 0, 0)),
            pl.BlockSpec((E, D), lambda e, c: (0, 0)),
        ],
        out_specs=pl.BlockSpec((CAP, D), lambda e, c: (e, 0)),
    )
    return pl.pallas_call(
        _ffn_body,
        grid_spec=grid_spec,
        out_shape=jax.ShapeDtypeStruct((NSLOT, D), jnp.float32),
        compiler_params=pltpu.CompilerParams(
            dimension_semantics=("parallel",)),
    )(cnt, buf, W1, b1, W2, b2)



NTH = N_TOK // 2
TPWH = NTH // NW
KCHH = TPWH // CHUNK


def _make_combine_body(half):
    def body(yb_hbm, slot_hbm, y_hbm, idx_v, rows0, rows1,
             sg0, sg1, sw0, sw1):
        wid = lax.axis_index("s") * NC + lax.axis_index("c")
        base = wid * TPWH
        pltpu.sync_copy(slot_hbm.at[half, wid], idx_v)
        rows = (rows0, rows1)
        sg = (sg0, sg1)
        sw = (sw0, sw1)
        gs = {}
        ws = {}
        for j in range(KCHH):
            p = j % 2
            if j >= 2:
                ws[j - 2].wait()
            gs[j] = pltpu.async_copy(yb_hbm.at[idx_v.at[j]], rows[p], sg[p])
            gs[j].wait()
            ws[j] = pltpu.async_copy(
                rows[p], y_hbm.at[pl.ds(base + j * CHUNK, CHUNK)], sw[p])
        for j in range(max(KCHH - 2, 0), KCHH):
            ws[j].wait()
    return body


def _run_combine_half(yb, slot_c, half):
    k = functools.partial(
        pl.kernel,
        mesh=plsc.VectorSubcoreMesh(core_axis_name="c", subcore_axis_name="s"),
        out_type=jax.ShapeDtypeStruct((NTH, D), jnp.float32),
        scratch_types=[
            pltpu.VMEM((KCHH, CHUNK), jnp.int32),
            pltpu.VMEM((CHUNK, D), jnp.float32),
            pltpu.VMEM((CHUNK, D), jnp.float32),
            pltpu.SemaphoreType.DMA,
            pltpu.SemaphoreType.DMA,
            pltpu.SemaphoreType.DMA,
            pltpu.SemaphoreType.DMA,
        ],
    )(_make_combine_body(half))
    return k(yb, slot_c)



LTB = 2048
NLB = N_TOK // LTB


def _ln_body(y_ref, x_ref, scale_ref, g_ref, b_ref, out_ref):
    sc = jnp.concatenate(
        [scale_ref[i].reshape(TB, 1) for i in range(LTB // TB)], axis=0)
    y = jnp.where(sc > 0.0, y_ref[...] * sc, 0.0)
    z = y + x_ref[...]
    mu = jnp.mean(z, axis=-1, keepdims=True)
    zc = z - mu
    var = jnp.mean(zc * zc, axis=-1, keepdims=True)
    out_ref[...] = zc * lax.rsqrt(var + 1e-5) * g_ref[...] + b_ref[...]


NLBH = NTH // LTB


def _make_ln_body(with_prev):
    def body(*refs):
        if with_prev:
            y_ref, _prev, x_ref, scale_ref, g_ref, b_ref, out_ref = refs
        else:
            y_ref, x_ref, scale_ref, g_ref, b_ref, out_ref = refs
        _ln_body(y_ref, x_ref, scale_ref, g_ref, b_ref, out_ref)
    return body


def _run_ln_half(y_half, x, scale, gamma, beta, half, prev=None):
    boff = half * NLBH
    in_specs = [
        pl.BlockSpec((LTB, D), lambda b: (b, 0)),
        pl.BlockSpec((LTB, D), lambda b, _o=boff: (b + _o, 0)),
        pl.BlockSpec((LTB // TB, 1, TB), lambda b, _o=boff: (b + _o, 0, 0)),
        pl.BlockSpec((1, D), lambda b: (0, 0)),
        pl.BlockSpec((1, D), lambda b: (0, 0)),
    ]
    args = [y_half, x, scale, gamma, beta]
    aliases = {}
    if prev is not None:
        in_specs.insert(1, pl.BlockSpec(memory_space=pl.ANY))
        args.insert(1, prev)
        aliases = {1: 0}
    return pl.pallas_call(
        _make_ln_body(prev is not None),
        grid=(NLBH,),
        in_specs=in_specs,
        out_specs=pl.BlockSpec((LTB, D), lambda b, _o=boff: (b + _o, 0)),
        out_shape=jax.ShapeDtypeStruct((N_TOK, D), jnp.float32),
        input_output_aliases=aliases,
        compiler_params=pltpu.CompilerParams(
            dimension_semantics=("arbitrary",)),
    )(*args)



@jax.jit
def kernel(x, Wg, W1, b1, W2, b2, gamma, beta):
    slot_d, slot_c, scale, aux, cnt = _run_router(x, Wg)
    slot_d = slot_d.reshape(NW, KCH, CHUNK)
    slot_c4 = slot_c.reshape(2, NW, KCHH, CHUNK)

    buf = _run_dispatch(x, slot_d)

    yb = _run_ffn(cnt.reshape(E), buf, W1, b1, W2, b2)

    g2 = gamma.reshape(1, D)
    b2d = beta.reshape(1, D)
    y_a = _run_combine_half(yb, slot_c4, 0)
    y_b = _run_combine_half(yb, slot_c4, 1)
    out_a = _run_ln_half(y_a, x, scale, g2, b2d, 0)
    out = _run_ln_half(y_b, x, scale, g2, b2d, 1, prev=out_a)
    return out, aux[0, 0]

# --- scband reference (transcript-rebuilt; emitter-appended) ---
"""Pipeline reference for scband-mo-efnn-10222022165090 (READ-ONLY COPY).

The authoritative reference and input builder live on the scoring server;
editing this copy changes nothing except your own understanding.
"""

import jax, jax.numpy as jnp
import numpy as np

D_IN = 768
N_EXPERTS = 64
D_HID = 768
N_TOK = 8192


def setup_inputs(seed: int = 0) -> dict:
    key = jax.random.key(seed)
    ks = jax.random.split(key, 6)
    x = jax.random.normal(ks[0], (N_TOK, D_IN), dtype=jnp.float32)
    Wg = jax.random.normal(ks[1], (D_IN, N_EXPERTS), dtype=jnp.float32) * 0.02
    W1 = jax.random.normal(ks[2], (N_EXPERTS, D_IN, D_HID), dtype=jnp.float32) * 0.02
    b1 = jnp.zeros((N_EXPERTS, D_HID), dtype=jnp.float32)
    W2 = jax.random.normal(ks[3], (N_EXPERTS, D_HID, D_IN), dtype=jnp.float32) * 0.02
    b2 = jnp.zeros((N_EXPERTS, D_IN), dtype=jnp.float32)
    gamma = jnp.ones((D_IN,), dtype=jnp.float32)
    beta = jnp.zeros((D_IN,), dtype=jnp.float32)
    return {"x": x, "Wg": Wg, "W1": W1, "b1": b1, "W2": W2, "b2": b2, "gamma": gamma, "beta": beta}


def _moe(x, Wg, W1, b1, W2, b2):
    n, d = x.shape
    e = Wg.shape[1]
    cap = 2 * n // e
    logits = x @ Wg
    probs = jax.nn.softmax(logits, axis=-1)
    expert_idx = jnp.argmax(probs, axis=-1)
    gate = jnp.take_along_axis(probs, expert_idx[:, None], axis=1)[:, 0]
    onehot = jax.nn.one_hot(expert_idx, e, dtype=jnp.float32)
    # position of each token within its expert's buffer
    pos = jnp.cumsum(onehot, axis=0) - 1.0
    pos_tok = jnp.take_along_axis(pos, expert_idx[:, None], axis=1)[:, 0].astype(jnp.int32)
    keep = (pos_tok < cap).astype(x.dtype)
    pos_c = jnp.clip(pos_tok, 0, cap - 1)
    # scatter tokens into per-expert capacity buffers (dispatch)
    buf = jnp.zeros((e, cap, d), dtype=x.dtype).at[expert_idx, pos_c].add(x * keep[:, None])
    h = jax.nn.relu(jnp.einsum('ecd,edh->ech', buf, W1) + b1[:, None, :])
    yb = jnp.einsum('ech,ehd->ecd', h, W2) + b2[:, None, :]
    # gather back (combine), weighted by gate; dropped tokens get zeros
    y = yb[expert_idx, pos_c] * (gate * keep)[:, None]
    # load-balancing auxiliary loss (Switch-style)
    frac = jnp.mean(onehot, axis=0)
    pmean = jnp.mean(probs, axis=0)
    aux = e * jnp.sum(frac * pmean)
    return y, aux


def reference(x, Wg, W1, b1, W2, b2, gamma, beta):
    residual = x
    y, loss = _moe(x, Wg, W1, b1, W2, b2)
    # dropout is identity in eval mode
    z = y + residual
    mu = jnp.mean(z, axis=-1, keepdims=True)
    var = jnp.var(z, axis=-1, keepdims=True)
    out = (z - mu) / jnp.sqrt(var + 1e-5) * gamma + beta
    return (out, loss)

if __name__ == "__main__":
    import jax
    _d = setup_inputs()
    print(jax.jit(kernel)(*tuple(_d.values())))

</pallas_src>

<mosaic_0001>
#map = affine_map<(d0, d1) -> (0, 0)>
#map1 = affine_map<(d0, d1) -> (0, 0, 0, 0)>
module attributes {stable_mosaic.version = 14 : i64} {
  func.func @body(%arg0: i32, %arg1: i32, %arg2: memref<16384x768xf32, #tpu.memory_space<hbm>>, %arg3: memref<2x32x2x64xi32, #tpu.memory_space<hbm>>, %arg4: memref<4096x768xf32, #tpu.memory_space<hbm>>, %arg5: memref<2x64xi32, #tpu.memory_space<vmem>>, %arg6: memref<64x768xf32, #tpu.memory_space<vmem>>, %arg7: memref<64x768xf32, #tpu.memory_space<vmem>>, %arg8: memref<!tpu.dma_semaphore, #tpu.memory_space<semaphore_mem>>, %arg9: memref<!tpu.dma_semaphore, #tpu.memory_space<semaphore_mem>>, %arg10: memref<!tpu.dma_semaphore, #tpu.memory_space<semaphore_mem>>, %arg11: memref<!tpu.dma_semaphore, #tpu.memory_space<semaphore_mem>>) attributes {dimension_semantics = [#tpu.dimension_semantics<core_parallel>, #tpu.dimension_semantics<subcore_parallel>], iteration_bounds = array<i64: 2, 16>, scalar_prefetch = 0 : i64, scratch_operands = 7 : i64, tpu.core_type = #tpu.core_type<sc_vector_subcore>, window_params = [{transform_indices = #map}, {transform_indices = #map1}, {transform_indices = #map}]} {
    %mul3A = arith.constant 2 : i32
    %mul3A_0 = arith.muli %arg1, %mul3A : i32
    %add3A = arith.addi %mul3A_0, %arg0 : i32
    %mul3A_1 = arith.constant 128 : i32
    %mul3A_2 = arith.muli %add3A, %mul3A_1 : i32
    %run_scoped3A = arith.constant 0 : i32
    "tpu.region"() ({
      %run_scoped3A_49 = tpu.sem_alloc : memref<!tpu.dma_semaphore, #tpu.memory_space<semaphore_mem>>
      %dma_start3A_50 = arith.constant 0 : i32
      %dma_start3A_51 = arith.constant 0 : i32
      %dma_start3A_52 = tpu.memref_slice %arg3[%run_scoped3A, %add3A, %dma_start3A_50, %dma_start3A_51] : memref<2x32x2x64xi32, #tpu.memory_space<hbm>> -> memref<1x1x2x64xi32, #tpu.memory_space<hbm>>
      %dma_start3A_53 = tpu.memref_squeeze %dma_start3A_52 : memref<1x1x2x64xi32, #tpu.memory_space<hbm>> -> memref<2x64xi32, #tpu.memory_space<hbm>>
      %dma_start3A_54 = arith.constant 0 : i32
      %dma_start3A_55 = arith.constant 0 : i32
      %dma_start3A_56 = tpu.memref_slice %arg3[%run_scoped3A, %add3A, %dma_start3A_54, %dma_start3A_55] : memref<2x32x2x64xi32, #tpu.memory_space<hbm>> -> memref<1x1x2x64xi32, #tpu.memory_space<hbm>>
      %dma_start3A_57 = tpu.memref_squeeze %dma_start3A_56 : memref<1x1x2x64xi32, #tpu.memory_space<hbm>> -> memref<2x64xi32, #tpu.memory_space<hbm>>
      tpu.enqueue_dma source(%dma_start3A_57 : memref<2x64xi32, #tpu.memory_space<hbm>>) target(%arg5 : memref<2x64xi32, #tpu.memory_space<vmem>>) target_semaphore(%run_scoped3A_49 : memref<!tpu.dma_semaphore, #tpu.memory_space<semaphore_mem>>)
      %dma_wait3A_58 = arith.constant 0 : i32
      %dma_wait3A_59 = arith.constant 0 : i32
      %dma_wait3A_60 = tpu.memref_slice %arg3[%run_scoped3A, %add3A, %dma_wait3A_58, %dma_wait3A_59] : memref<2x32x2x64xi32, #tpu.memory_space<hbm>> -> memref<1x1x2x64xi32, #tpu.memory_space<hbm>>
      %dma_wait3A_61 = tpu.memref_squeeze %dma_wait3A_60 : memref<1x1x2x64xi32, #tpu.memory_space<hbm>> -> memref<2x64xi32, #tpu.memory_space<hbm>>
      %dma_wait3A_62 = arith.constant 0 : i32
      %dma_wait3A_63 = arith.constant 0 : i32
      %dma_wait3A_64 = tpu.memref_slice %arg3[%run_scoped3A, %add3A, %dma_wait3A_62, %dma_wait3A_63] : memref<2x32x2x64xi32, #tpu.memory_space<hbm>> -> memref<1x1x2x64xi32, #tpu.memory_space<hbm>>
      %dma_wait3A_65 = tpu.memref_squeeze %dma_wait3A_64 : memref<1x1x2x64xi32, #tpu.memory_space<hbm>> -> memref<2x64xi32, #tpu.memory_space<hbm>>
      tpu.wait_dma2 semaphore(%run_scoped3A_49 : memref<!tpu.dma_semaphore, #tpu.memory_space<semaphore_mem>>) src(%dma_wait3A_65 : memref<2x64xi32, #tpu.memory_space<hbm>>) dst(%arg5 : memref<2x64xi32, #tpu.memory_space<vmem>>)
      tpu.yield
    }) : () -> ()
    %dma_start3A = arith.constant 0 : i32
    %dma_start3A_3 = arith.constant 0 : i32
    %dma_start3A_4 = tpu.memref_slice %arg5[%dma_start3A, %dma_start3A_3] : memref<2x64xi32, #tpu.memory_space<vmem>> -> memref<1x64xi32, #tpu.memory_space<vmem>>
    %dma_start3A_5 = tpu.memref_squeeze %dma_start3A_4 : memref<1x64xi32, #tpu.memory_space<vmem>> -> memref<64xi32, #tpu.memory_space<vmem>>
    %dma_start3A_6 = arith.constant 0 : i32
    %dma_start3A_7 = arith.constant 0 : i32
    %dma_start3A_8 = tpu.memref_slice %arg2[%dma_start3A_6, %dma_start3A_7] : memref<16384x768xf32, #tpu.memory_space<hbm>> -> memref<16384x768xf32, #tpu.memory_space<hbm>>
    tpu.enqueue_indirect_dma source(%dma_start3A_8 : memref<16384x768xf32, #tpu.memory_space<hbm>>) target(%arg6 : memref<64x768xf32, #tpu.memory_space<vmem>>) offsets(%dma_start3A_5 : memref<64xi32, #tpu.memory_space<vmem>>) semaphore(%arg8 : memref<!tpu.dma_semaphore, #tpu.memory_space<semaphore_mem>>)
    %dma_wait3A = arith.constant 0 : i32
    %dma_wait3A_9 = arith.constant 0 : i32
    %dma_wait3A_10 = tpu.memref_slice %arg5[%dma_wait3A, %dma_wait3A_9] : memref<2x64xi32, #tpu.memory_space<vmem>> -> memref<1x64xi32, #tpu.memory_space<vmem>>
    %dma_wait3A_11 = tpu.memref_squeeze %dma_wait3A_10 : memref<1x64xi32, #tpu.memory_space<vmem>> -> memref<64xi32, #tpu.memory_space<vmem>>
    %dma_wait3A_12 = arith.constant 0 : i32
    %dma_wait3A_13 = arith.constant 0 : i32
    %dma_wait3A_14 = tpu.memref_slice %arg2[%dma_wait3A_12, %dma_wait3A_13] : memref<16384x768xf32, #tpu.memory_space<hbm>> -> memref<16384x768xf32, #tpu.memory_space<hbm>>
    tpu.wait_indirect_dma semaphore(%arg8 : memref<!tpu.dma_semaphore, #tpu.memory_space<semaphore_mem>>) src(%dma_wait3A_14 : memref<16384x768xf32, #tpu.memory_space<hbm>>) dst(%arg6 : memref<64x768xf32, #tpu.memory_space<vmem>>)
    %add3A_15 = arith.constant 0 : i32
    %add3A_16 = arith.addi %mul3A_2, %add3A_15 : i32
    %dma_start3A_17 = arith.constant 0 : i32
    %dma_start3A_18 = tpu.memref_slice %arg4[%add3A_16, %dma_start3A_17] : memref<4096x768xf32, #tpu.memory_space<hbm>> -> memref<64x768xf32, #tpu.memory_space<hbm>>
    %dma_start3A_19 = arith.constant 0 : i32
    %dma_start3A_20 = tpu.memref_slice %arg4[%add3A_16, %dma_start3A_19] : memref<4096x768xf32, #tpu.memory_space<hbm>> -> memref<64x768xf32, #tpu.memory_space<hbm>>
    tpu.enqueue_dma source(%arg6 : memref<64x768xf32, #tpu.memory_space<vmem>>) target(%dma_start3A_20 : memref<64x768xf32, #tpu.memory_space<hbm>>) target_semaphore(%arg10 : memref<!tpu.dma_semaphore, #tpu.memory_space<semaphore_mem>>)
    %dma_start3A_21 = arith.constant 1 : i32
    %dma_start3A_22 = arith.constant 0 : i32
    %dma_start3A_23 = tpu.memref_slice %arg5[%dma_start3A_21, %dma_start3A_22] : memref<2x64xi32, #tpu.memory_space<vmem>> -> memref<1x64xi32, #tpu.memory_space<vmem>>
    %dma_start3A_24 = tpu.memref_squeeze %dma_start3A_23 : memref<1x64xi32, #tpu.memory_space<vmem>> -> memref<64xi32, #tpu.memory_space<vmem>>
    %dma_start3A_25 = arith.constant 0 : i32
    %dma_start3A_26 = arith.constant 0 : i32
    %dma_start3A_27 = tpu.memref_slice %arg2[%dma_start3A_25, %dma_start3A_26] : memref<16384x768xf32, #tpu.memory_space<hbm>> -> memref<16384x768xf32, #tpu.memory_space<hbm>>
    tpu.enqueue_indirect_dma source(%dma_start3A_27 : memref<16384x768xf32, #tpu.memory_space<hbm>>) target(%arg7 : memref<64x768xf32, #tpu.memory_space<vmem>>) offsets(%dma_start3A_24 : memref<64xi32, #tpu.memory_space<vmem>>) semaphore(%arg9 : memref<!tpu.dma_semaphore, #tpu.memory_space<semaphore_mem>>)
    %dma_wait3A_28 = arith.constant 1 : i32
    %dma_wait3A_29 = arith.constant 0 : i32
    %dma_wait3A_30 = tpu.memref_slice %arg5[%dma_wait3A_28, %dma_wait3A_29] : memref<2x64xi32, #tpu.memory_space<vmem>> -> memref<1x64xi32, #tpu.memory_space<vmem>>
    %dma_wait3A_31 = tpu.memref_squeeze %dma_wait3A_30 : memref<1x64xi32, #tpu.memory_space<vmem>> -> memref<64xi32, #tpu.memory_space<vmem>>
    %dma_wait3A_32 = arith.constant 0 : i32
    %dma_wait3A_33 = arith.constant 0 : i32
    %dma_wait3A_34 = tpu.memref_slice %arg2[%dma_wait3A_32, %dma_wait3A_33] : memref<16384x768xf32, #tpu.memory_space<hbm>> -> memref<16384x768xf32, #tpu.memory_space<hbm>>
    tpu.wait_indirect_dma semaphore(%arg9 : memref<!tpu.dma_semaphore, #tpu.memory_space<semaphore_mem>>) src(%dma_wait3A_34 : memref<16384x768xf32, #tpu.memory_space<hbm>>) dst(%arg7 : memref<64x768xf32, #tpu.memory_space<vmem>>)
    %add3A_35 = arith.constant 64 : i32
    %add3A_36 = arith.addi %mul3A_2, %add3A_35 : i32
    %dma_start3A_37 = arith.constant 0 : i32
    %dma_start3A_38 = tpu.memref_slice %arg4[%add3A_36, %dma_start3A_37] : memref<4096x768xf32, #tpu.memory_space<hbm>> -> memref<64x768xf32, #tpu.memory_space<hbm>>
    %dma_start3A_39 = arith.constant 0 : i32
    %dma_start3A_40 = tpu.memref_slice %arg4[%add3A_36, %dma_start3A_39] : memref<4096x768xf32, #tpu.memory_space<hbm>> -> memref<64x768xf32, #tpu.memory_space<hbm>>
    tpu.enqueue_dma source(%arg7 : memref<64x768xf32, #tpu.memory_space<vmem>>) target(%dma_start3A_40 : memref<64x768xf32, #tpu.memory_space<hbm>>) target_semaphore(%arg11 : memref<!tpu.dma_semaphore, #tpu.memory_space<semaphore_mem>>)
    %dma_wait3A_41 = arith.constant 0 : i32
    %dma_wait3A_42 = tpu.memref_slice %arg4[%add3A_16, %dma_wait3A_41] : memref<4096x768xf32, #tpu.memory_space<hbm>> -> memref<64x768xf32, #tpu.memory_space<hbm>>
    %dma_wait3A_43 = arith.constant 0 : i32
    %dma_wait3A_44 = tpu.memref_slice %arg4[%add3A_16, %dma_wait3A_43] : memref<4096x768xf32, #tpu.memory_space<hbm>> -> memref<64x768xf32, #tpu.memory_space<hbm>>
    tpu.wait_dma2 semaphore(%arg10 : memref<!tpu.dma_semaphore, #tpu.memory_space<semaphore_mem>>) src(%arg6 : memref<64x768xf32, #tpu.memory_space<vmem>>) dst(%dma_wait3A_44 : memref<64x768xf32, #tpu.memory_space<hbm>>)
    %dma_wait3A_45 = arith.constant 0 : i32
    %dma_wait3A_46 = tpu.memref_slice %arg4[%add3A_36, %dma_wait3A_45] : memref<4096x768xf32, #tpu.memory_space<hbm>> -> memref<64x768xf32, #tpu.memory_space<hbm>>
    %dma_wait3A_47 = arith.constant 0 : i32
    %dma_wait3A_48 = tpu.memref_slice %arg4[%add3A_36, %dma_wait3A_47] : memref<4096x768xf32, #tpu.memory_space<hbm>> -> memref<64x768xf32, #tpu.memory_space<hbm>>
    tpu.wait_dma2 semaphore(%arg11 : memref<!tpu.dma_semaphore, #tpu.memory_space<semaphore_mem>>) src(%arg7 : memref<64x768xf32, #tpu.memory_space<vmem>>) dst(%dma_wait3A_48 : memref<64x768xf32, #tpu.memory_space<hbm>>)
    return
  }
}

#map = affine_map<(d0, d1) -> (0, 0)>
#map1 = affine_map<(d0, d1) -> (0, 0, 0)>
module attributes {stable_mosaic.version = 14 : i64} {
  func.func @_dispatch_body(%arg0: i32, %arg1: i32, %arg2: memref<8192x768xf32, #tpu.memory_space<hbm>>, %arg3: memref<32x4x64xi32, #tpu.memory_space<hbm>>, %arg4: memref<16392x768xf32, #tpu.memory_space<hbm>>, %arg5: memref<4x64xi32, #tpu.memory_space<vmem>>, %arg6: memref<64x768xf32, #tpu.memory_space<vmem>>, %arg7: memref<64x768xf32, #tpu.memory_space<vmem>>, %arg8: memref<!tpu.dma_semaphore, #tpu.memory_space<semaphore_mem>>, %arg9: memref<!tpu.dma_semaphore, #tpu.memory_space<semaphore_mem>>, %arg10: memref<!tpu.dma_semaphore, #tpu.memory_space<semaphore_mem>>, %arg11: memref<!tpu.dma_semaphore, #tpu.memory_space<semaphore_mem>>) attributes {dimension_semantics = [#tpu.dimension_semantics<core_parallel>, #tpu.dimension_semantics<subcore_parallel>], iteration_bounds = array<i64: 2, 16>, scalar_prefetch = 0 : i64, scratch_operands = 7 : i64, tpu.core_type = #tpu.core_type<sc_vector_subcore>, window_params = [{transform_indices = #map}, {transform_indices = #map1}, {transform_indices = #map}]} {
    %mul3A = arith.constant 2 : i32
    %mul3A_0 = arith.muli %arg1, %mul3A : i32
    %add3A = arith.addi %mul3A_0, %arg0 : i32
    %mul3A_1 = arith.constant 256 : i32
    %mul3A_2 = arith.muli %add3A, %mul3A_1 : i32
    "tpu.region"() ({
      %run_scoped3A = tpu.sem_alloc : memref<!tpu.dma_semaphore, #tpu.memory_space<semaphore_mem>>
      %dma_start3A_97 = arith.constant 0 : i32
      %dma_start3A_98 = arith.constant 0 : i32
      %dma_start3A_99 = tpu.memref_slice %arg3[%add3A, %dma_start3A_97, %dma_start3A_98] : memref<32x4x64xi32, #tpu.memory_space<hbm>> -> memref<1x4x64xi32, #tpu.memory_space<hbm>>
      %dma_start3A_100 = tpu.memref_squeeze %dma_start3A_99 : memref<1x4x64xi32, #tpu.memory_space<hbm>> -> memref<4x64xi32, #tpu.memory_space<hbm>>
      %dma_start3A_101 = arith.constant 0 : i32
      %dma_start3A_102 = arith.constant 0 : i32
      %dma_start3A_103 = tpu.memref_slice %arg3[%add3A, %dma_start3A_101, %dma_start3A_102] : memref<32x4x64xi32, #tpu.memory_space<hbm>> -> memref<1x4x64xi32, #tpu.memory_space<hbm>>
      %dma_start3A_104 = tpu.memref_squeeze %dma_start3A_103 : memref<1x4x64xi32, #tpu.memory_space<hbm>> -> memref<4x64xi32, #tpu.memory_space<hbm>>
      tpu.enqueue_dma source(%dma_start3A_104 : memref<4x64xi32, #tpu.memory_space<hbm>>) target(%arg5 : memref<4x64xi32, #tpu.memory_space<vmem>>) target_semaphore(%run_scoped3A : memref<!tpu.dma_semaphore, #tpu.memory_space<semaphore_mem>>)
      %dma_wait3A_105 = arith.constant 0 : i32
      %dma_wait3A_106 = arith.constant 0 : i32
      %dma_wait3A_107 = tpu.memref_slice %arg3[%add3A, %dma_wait3A_105, %dma_wait3A_106] : memref<32x4x64xi32, #tpu.memory_space<hbm>> -> memref<1x4x64xi32, #tpu.memory_space<hbm>>
      %dma_wait3A_108 = tpu.memref_squeeze %dma_wait3A_107 : memref<1x4x64xi32, #tpu.memory_space<hbm>> -> memref<4x64xi32, #tpu.memory_space<hbm>>
      %dma_wait3A_109 = arith.constant 0 : i32
      %dma_wait3A_110 = arith.constant 0 : i32
      %dma_wait3A_111 = tpu.memref_slice %arg3[%add3A, %dma_wait3A_109, %dma_wait3A_110] : memref<32x4x64xi32, #tpu.memory_space<hbm>> -> memref<1x4x64xi32, #tpu.memory_space<hbm>>
      %dma_wait3A_112 = tpu.memref_squeeze %dma_wait3A_111 : memref<1x4x64xi32, #tpu.memory_space<hbm>> -> memref<4x64xi32, #tpu.memory_space<hbm>>
      tpu.wait_dma2 semaphore(%run_scoped3A : memref<!tpu.dma_semaphore, #tpu.memory_space<semaphore_mem>>) src(%dma_wait3A_112 : memref<4x64xi32, #tpu.memory_space<hbm>>) dst(%arg5 : memref<4x64xi32, #tpu.memory_space<vmem>>)
      tpu.yield
    }) : () -> ()
    %add3A_3 = arith.constant 0 : i32
    %add3A_4 = arith.addi %mul3A_2, %add3A_3 : i32
    %dma_start3A = arith.constant 0 : i32
    %dma_start3A_5 = tpu.memref_slice %arg2[%add3A_4, %dma_start3A] : memref<8192x768xf32, #tpu.memory_space<hbm>> -> memref<64x768xf32, #tpu.memory_space<hbm>>
    %dma_start3A_6 = arith.constant 0 : i32
    %dma_start3A_7 = tpu.memref_slice %arg2[%add3A_4, %dma_start3A_6] : memref<8192x768xf32, #tpu.memory_space<hbm>> -> memref<64x768xf32, #tpu.memory_space<hbm>>
    tpu.enqueue_dma source(%dma_start3A_7 : memref<64x768xf32, #tpu.memory_space<hbm>>) target(%arg6 : memref<64x768xf32, #tpu.memory_space<vmem>>) target_semaphore(%arg8 : memref<!tpu.dma_semaphore, #tpu.memory_space<semaphore_mem>>)
    %dma_wait3A = arith.constant 0 : i32
    %dma_wait3A_8 = tpu.memref_slice %arg2[%add3A_4, %dma_wait3A] : memref<8192x768xf32, #tpu.memory_space<hbm>> -> memref<64x768xf32, #tpu.memory_space<hbm>>
    %dma_wait3A_9 = arith.constant 0 : i32
    %dma_wait3A_10 = tpu.memref_slice %arg2[%add3A_4, %dma_wait3A_9] : memref<8192x768xf32, #tpu.memory_space<hbm>> -> memref<64x768xf32, #tpu.memory_space<hbm>>
    tpu.wait_dma2 semaphore(%arg8 : memref<!tpu.dma_semaphore, #tpu.memory_space<semaphore_mem>>) src(%dma_wait3A_10 : memref<64x768xf32, #tpu.memory_space<hbm>>) dst(%arg6 : memref<64x768xf32, #tpu.memory_space<vmem>>)
    %dma_start3A_11 = arith.constant 0 : i32
    %dma_start3A_12 = arith.constant 0 : i32
    %dma_start3A_13 = tpu.memref_slice %arg5[%dma_start3A_11, %dma_start3A_12] : memref<4x64xi32, #tpu.memory_space<vmem>> -> memref<1x64xi32, #tpu.memory_space<vmem>>
    %dma_start3A_14 = tpu.memref_squeeze %dma_start3A_13 : memref<1x64xi32, #tpu.memory_space<vmem>> -> memref<64xi32, #tpu.memory_space<vmem>>
    %dma_start3A_15 = arith.constant 0 : i32
    %dma_start3A_16 = arith.constant 0 : i32
    %dma_start3A_17 = tpu.memref_slice %arg4[%dma_start3A_15, %dma_start3A_16] : memref<16392x768xf32, #tpu.memory_space<hbm>> -> memref<16392x768xf32, #tpu.memory_space<hbm>>
    tpu.enqueue_indirect_dma source(%arg6 : memref<64x768xf32, #tpu.memory_space<vmem>>) target(%dma_start3A_17 : memref<16392x768xf32, #tpu.memory_space<hbm>>) offsets(%dma_start3A_14 : memref<64xi32, #tpu.memory_space<vmem>>) semaphore(%arg10 : memref<!tpu.dma_semaphore, #tpu.memory_space<semaphore_mem>>)
    %add3A_18 = arith.constant 64 : i32
    %add3A_19 = arith.addi %mul3A_2, %add3A_18 : i32
    %dma_start3A_20 = arith.constant 0 : i32
    %dma_start3A_21 = tpu.memref_slice %arg2[%add3A_19, %dma_start3A_20] : memref<8192x768xf32, #tpu.memory_space<hbm>> -> memref<64x768xf32, #tpu.memory_space<hbm>>
    %dma_start3A_22 = arith.constant 0 : i32
    %dma_start3A_23 = tpu.memref_slice %arg2[%add3A_19, %dma_start3A_22] : memref<8192x768xf32, #tpu.memory_space<hbm>> -> memref<64x768xf32, #tpu.memory_space<hbm>>
    tpu.enqueue_dma source(%dma_start3A_23 : memref<64x768xf32, #tpu.memory_space<hbm>>) target(%arg7 : memref<64x768xf32, #tpu.memory_space<vmem>>) target_semaphore(%arg9 : memref<!tpu.dma_semaphore, #tpu.memory_space<semaphore_mem>>)
    %dma_wait3A_24 = arith.constant 0 : i32
    %dma_wait3A_25 = tpu.memref_slice %arg2[%add3A_19, %dma_wait3A_24] : memref<8192x768xf32, #tpu.memory_space<hbm>> -> memref<64x768xf32, #tpu.memory_space<hbm>>
    %dma_wait3A_26 = arith.constant 0 : i32
    %dma_wait3A_27 = tpu.memref_slice %arg2[%add3A_19, %dma_wait3A_26] : memref<8192x768xf32, #tpu.memory_space<hbm>> -> memref<64x768xf32, #tpu.memory_space<hbm>>
    tpu.wait_dma2 semaphore(%arg9 : memref<!tpu.dma_semaphore, #tpu.memory_space<semaphore_mem>>) src(%dma_wait3A_27 : memref<64x768xf32, #tpu.memory_space<hbm>>) dst(%arg7 : memref<64x768xf32, #tpu.memory_space<vmem>>)
    %dma_start3A_28 = arith.constant 1 : i32
    %dma_start3A_29 = arith.constant 0 : i32
    %dma_start3A_30 = tpu.memref_slice %arg5[%dma_start3A_28, %dma_start3A_29] : memref<4x64xi32, #tpu.memory_space<vmem>> -> memref<1x64xi32, #tpu.memory_space<vmem>>
    %dma_start3A_31 = tpu.memref_squeeze %dma_start3A_30 : memref<1x64xi32, #tpu.memory_space<vmem>> -> memref<64xi32, #tpu.memory_space<vmem>>
    %dma_start3A_32 = arith.constant 0 : i32
    %dma_start3A_33 = arith.constant 0 : i32
    %dma_start3A_34 = tpu.memref_slice %arg4[%dma_start3A_32, %dma_start3A_33] : memref<16392x768xf32, #tpu.memory_space<hbm>> -> memref<16392x768xf32, #tpu.memory_space<hbm>>
    tpu.enqueue_indirect_dma source(%arg7 : memref<64x768xf32, #tpu.memory_space<vmem>>) target(%dma_start3A_34 : memref<16392x768xf32, #tpu.memory_space<hbm>>) offsets(%dma_start3A_31 : memref<64xi32, #tpu.memory_space<vmem>>) semaphore(%arg11 : memref<!tpu.dma_semaphore, #tpu.memory_space<semaphore_mem>>)
    %dma_wait3A_35 = arith.constant 0 : i32
    %dma_wait3A_36 = arith.constant 0 : i32
    %dma_wait3A_37 = tpu.memref_slice %arg5[%dma_wait3A_35, %dma_wait3A_36] : memref<4x64xi32, #tpu.memory_space<vmem>> -> memref<1x64xi32, #tpu.memory_space<vmem>>
    %dma_wait3A_38 = tpu.memref_squeeze %dma_wait3A_37 : memref<1x64xi32, #tpu.memory_space<vmem>> -> memref<64xi32, #tpu.memory_space<vmem>>
    %dma_wait3A_39 = arith.constant 0 : i32
    %dma_wait3A_40 = arith.constant 0 : i32
    %dma_wait3A_41 = tpu.memref_slice %arg4[%dma_wait3A_39, %dma_wait3A_40] : memref<16392x768xf32, #tpu.memory_space<hbm>> -> memref<16392x768xf32, #tpu.memory_space<hbm>>
    tpu.wait_indirect_dma semaphore(%arg10 : memref<!tpu.dma_semaphore, #tpu.memory_space<semaphore_mem>>) src(%arg6 : memref<64x768xf32, #tpu.memory_space<vmem>>) dst(%dma_wait3A_41 : memref<16392x768xf32, #tpu.memory_space<hbm>>)
    %add3A_42 = arith.constant 128 : i32
    %add3A_43 = arith.addi %mul3A_2, %add3A_42 : i32
    %dma_start3A_44 = arith.constant 0 : i32
    %dma_start3A_45 = tpu.memref_slice %arg2[%add3A_43, %dma_start3A_44] : memref<8192x768xf32, #tpu.memory_space<hbm>> -> memref<64x768xf32, #tpu.memory_space<hbm>>
    %dma_start3A_46 = arith.constant 0 : i32
    %dma_start3A_47 = tpu.memref_slice %arg2[%add3A_43, %dma_start3A_46] : memref<8192x768xf32, #tpu.memory_space<hbm>> -> memref<64x768xf32, #tpu.memory_space<hbm>>
    tpu.enqueue_dma source(%dma_start3A_47 : memref<64x768xf32, #tpu.memory_space<hbm>>) target(%arg6 : memref<64x768xf32, #tpu.memory_space<vmem>>) target_semaphore(%arg8 : memref<!tpu.dma_semaphore, #tpu.memory_space<semaphore_mem>>)
    %dma_wait3A_48 = arith.constant 0 : i32
    %dma_wait3A_49 = tpu.memref_slice %arg2[%add3A_43, %dma_wait3A_48] : memref<8192x768xf32, #tpu.memory_space<hbm>> -> memref<64x768xf32, #tpu.memory_space<hbm>>
    %dma_wait3A_50 = arith.constant 0 : i32
    %dma_wait3A_51 = tpu.memref_slice %arg2[%add3A_43, %dma_wait3A_50] : memref<8192x768xf32, #tpu.memory_space<hbm>> -> memref<64x768xf32, #tpu.memory_space<hbm>>
    tpu.wait_dma2 semaphore(%arg8 : memref<!tpu.dma_semaphore, #tpu.memory_space<semaphore_mem>>) src(%dma_wait3A_51 : memref<64x768xf32, #tpu.memory_space<hbm>>) dst(%arg6 : memref<64x768xf32, #tpu.memory_space<vmem>>)
    %dma_start3A_52 = arith.constant 2 : i32
    %dma_start3A_53 = arith.constant 0 : i32
    %dma_start3A_54 = tpu.memref_slice %arg5[%dma_start3A_52, %dma_start3A_53] : memref<4x64xi32, #tpu.memory_space<vmem>> -> memref<1x64xi32, #tpu.memory_space<vmem>>
    %dma_start3A_55 = tpu.memref_squeeze %dma_start3A_54 : memref<1x64xi32, #tpu.memory_space<vmem>> -> memref<64xi32, #tpu.memory_space<vmem>>
    %dma_start3A_56 = arith.constant 0 : i32
    %dma_start3A_57 = arith.constant 0 : i32
    %dma_start3A_58 = tpu.memref_slice %arg4[%dma_start3A_56, %dma_start3A_57] : memref<16392x768xf32, #tpu.memory_space<hbm>> -> memref<16392x768xf32, #tpu.memory_space<hbm>>
    tpu.enqueue_indirect_dma source(%arg6 : memref<64x768xf32, #tpu.memory_space<vmem>>) target(%dma_start3A_58 : memref<16392x768xf32, #tpu.memory_space<hbm>>) offsets(%dma_start3A_55 : memref<64xi32, #tpu.memory_space<vmem>>) semaphore(%arg10 : memref<!tpu.dma_semaphore, #tpu.memory_space<semaphore_mem>>)
    %dma_wait3A_59 = arith.constant 1 : i32
    %dma_wait3A_60 = arith.constant 0 : i32
    %dma_wait3A_61 = tpu.memref_slice %arg5[%dma_wait3A_59, %dma_wait3A_60] : memref<4x64xi32, #tpu.memory_space<vmem>> -> memref<1x64xi32, #tpu.memory_space<vmem>>
    %dma_wait3A_62 = tpu.memref_squeeze %dma_wait3A_61 : memref<1x64xi32, #tpu.memory_space<vmem>> -> memref<64xi32, #tpu.memory_space<vmem>>
    %dma_wait3A_63 = arith.constant 0 : i32
    %dma_wait3A_64 = arith.constant 0 : i32
    %dma_wait3A_65 = tpu.memref_slice %arg4[%dma_wait3A_63, %dma_wait3A_64] : memref<16392x768xf32, #tpu.memory_space<hbm>> -> memref<16392x768xf32, #tpu.memory_space<hbm>>
    tpu.wait_indirect_dma semaphore(%arg11 : memref<!tpu.dma_semaphore, #tpu.memory_space<semaphore_mem>>) src(%arg7 : memref<64x768xf32, #tpu.memory_space<vmem>>) dst(%dma_wait3A_65 : memref<16392x768xf32, #tpu.memory_space<hbm>>)
    %add3A_66 = arith.constant 192 : i32
    %add3A_67 = arith.addi %mul3A_2, %add3A_66 : i32
    %dma_start3A_68 = arith.constant 0 : i32
    %dma_start3A_69 = tpu.memref_slice %arg2[%add3A_67, %dma_start3A_68] : memref<8192x768xf32, #tpu.memory_space<hbm>> -> memref<64x768xf32, #tpu.memory_space<hbm>>
    %dma_start3A_70 = arith.constant 0 : i32
    %dma_start3A_71 = tpu.memref_slice %arg2[%add3A_67, %dma_start3A_70] : memref<8192x768xf32, #tpu.memory_space<hbm>> -> memref<64x768xf32, #tpu.memory_space<hbm>>
    tpu.enqueue_dma source(%dma_start3A_71 : memref<64x768xf32, #tpu.memory_space<hbm>>) target(%arg7 : memref<64x768xf32, #tpu.memory_space<vmem>>) target_semaphore(%arg9 : memref<!tpu.dma_semaphore, #tpu.memory_space<semaphore_mem>>)
    %dma_wait3A_72 = arith.constant 0 : i32
    %dma_wait3A_73 = tpu.memref_slice %arg2[%add3A_67, %dma_wait3A_72] : memref<8192x768xf32, #tpu.memory_space<hbm>> -> memref<64x768xf32, #tpu.memory_space<hbm>>
    %dma_wait3A_74 = arith.constant 0 : i32
    %dma_wait3A_75 = tpu.memref_slice %arg2[%add3A_67, %dma_wait3A_74] : memref<8192x768xf32, #tpu.memory_space<hbm>> -> memref<64x768xf32, #tpu.memory_space<hbm>>
    tpu.wait_dma2 semaphore(%arg9 : memref<!tpu.dma_semaphore, #tpu.memory_space<semaphore_mem>>) src(%dma_wait3A_75 : memref<64x768xf32, #tpu.memory_space<hbm>>) dst(%arg7 : memref<64x768xf32, #tpu.memory_space<vmem>>)
    %dma_start3A_76 = arith.constant 3 : i32
    %dma_start3A_77 = arith.constant 0 : i32
    %dma_start3A_78 = tpu.memref_slice %arg5[%dma_start3A_76, %dma_start3A_77] : memref<4x64xi32, #tpu.memory_space<vmem>> -> memref<1x64xi32, #tpu.memory_space<vmem>>
    %dma_start3A_79 = tpu.memref_squeeze %dma_start3A_78 : memref<1x64xi32, #tpu.memory_space<vmem>> -> memref<64xi32, #tpu.memory_space<vmem>>
    %dma_start3A_80 = arith.constant 0 : i32
    %dma_start3A_81 = arith.constant 0 : i32
    %dma_start3A_82 = tpu.memref_slice %arg4[%dma_start3A_80, %dma_start3A_81] : memref<16392x768xf32, #tpu.memory_space<hbm>> -> memref<16392x768xf32, #tpu.memory_space<hbm>>
    tpu.enqueue_indirect_dma source(%arg7 : memref<64x768xf32, #tpu.memory_space<vmem>>) target(%dma_start3A_82 : memref<16392x768xf32, #tpu.memory_space<hbm>>) offsets(%dma_start3A_79 : memref<64xi32, #tpu.memory_space<vmem>>) semaphore(%arg11 : memref<!tpu.dma_semaphore, #tpu.memory_space<semaphore_mem>>)
    %dma_wait3A_83 = arith.constant 2 : i32
    %dma_wait3A_84 = arith.constant 0 : i32
    %dma_wait3A_85 = tpu.memref_slice %arg5[%dma_wait3A_83, %dma_wait3A_84] : memref<4x64xi32, #tpu.memory_space<vmem>> -> memref<1x64xi32, #tpu.memory_space<vmem>>
    %dma_wait3A_86 = tpu.memref_squeeze %dma_wait3A_85 : memref<1x64xi32, #tpu.memory_space<vmem>> -> memref<64xi32, #tpu.memory_space<vmem>>
    %dma_wait3A_87 = arith.constant 0 : i32
    %dma_wait3A_88 = arith.constant 0 : i32
    %dma_wait3A_89 = tpu.memref_slice %arg4[%dma_wait3A_87, %dma_wait3A_88] : memref<16392x768xf32, #tpu.memory_space<hbm>> -> memref<16392x768xf32, #tpu.memory_space<hbm>>
    tpu.wait_indirect_dma semaphore(%arg10 : memref<!tpu.dma_semaphore, #tpu.memory_space<semaphore_mem>>) src(%arg6 : memref<64x768xf32, #tpu.memory_space<vmem>>) dst(%dma_wait3A_89 : memref<16392x768xf32, #tpu.memory_space<hbm>>)
    %dma_wait3A_90 = arith.constant 3 : i32
    %dma_wait3A_91 = arith.constant 0 : i32
    %dma_wait3A_92 = tpu.memref_slice %arg5[%dma_wait3A_90, %dma_wait3A_91] : memref<4x64xi32, #tpu.memory_space<vmem>> -> memref<1x64xi32, #tpu.memory_space<vmem>>
    %dma_wait3A_93 = tpu.memref_squeeze %dma_wait3A_92 : memref<1x64xi32, #tpu.memory_space<vmem>> -> memref<64xi32, #tpu.memory_space<vmem>>
    %dma_wait3A_94 = arith.constant 0 : i32
    %dma_wait3A_95 = arith.constant 0 : i32
    %dma_wait3A_96 = tpu.memref_slice %arg4[%dma_wait3A_94, %dma_wait3A_95] : memref<16392x768xf32, #tpu.memory_space<hbm>> -> memref<16392x768xf32, #tpu.memory_space<hbm>>
    tpu.wait_indirect_dma semaphore(%arg11 : memref<!tpu.dma_semaphore, #tpu.memory_space<semaphore_mem>>) src(%arg7 : memref<64x768xf32, #tpu.memory_space<vmem>>) dst(%dma_wait3A_96 : memref<16392x768xf32, #tpu.memory_space<hbm>>)
    return
  }
}

#map = affine_map<(d0, d1) -> (0, 0)>
#map1 = affine_map<(d0, d1) -> (0, 0, 0, 0)>
module attributes {stable_mosaic.version = 14 : i64} {
  func.func @body(%arg0: i32, %arg1: i32, %arg2: memref<16384x768xf32, #tpu.memory_space<hbm>>, %arg3: memref<2x32x2x64xi32, #tpu.memory_space<hbm>>, %arg4: memref<4096x768xf32, #tpu.memory_space<hbm>>, %arg5: memref<2x64xi32, #tpu.memory_space<vmem>>, %arg6: memref<64x768xf32, #tpu.memory_space<vmem>>, %arg7: memref<64x768xf32, #tpu.memory_space<vmem>>, %arg8: memref<!tpu.dma_semaphore, #tpu.memory_space<semaphore_mem>>, %arg9: memref<!tpu.dma_semaphore, #tpu.memory_space<semaphore_mem>>, %arg10: memref<!tpu.dma_semaphore, #tpu.memory_space<semaphore_mem>>, %arg11: memref<!tpu.dma_semaphore, #tpu.memory_space<semaphore_mem>>) attributes {dimension_semantics = [#tpu.dimension_semantics<core_parallel>, #tpu.dimension_semantics<subcore_parallel>], iteration_bounds = array<i64: 2, 16>, scalar_prefetch = 0 : i64, scratch_operands = 7 : i64, tpu.core_type = #tpu.core_type<sc_vector_subcore>, window_params = [{transform_indices = #map}, {transform_indices = #map1}, {transform_indices = #map}]} {
    %mul3A = arith.constant 2 : i32
    %mul3A_0 = arith.muli %arg1, %mul3A : i32
    %add3A = arith.addi %mul3A_0, %arg0 : i32
    %mul3A_1 = arith.constant 128 : i32
    %mul3A_2 = arith.muli %add3A, %mul3A_1 : i32
    %run_scoped3A = arith.constant 1 : i32
    "tpu.region"() ({
      %run_scoped3A_49 = tpu.sem_alloc : memref<!tpu.dma_semaphore, #tpu.memory_space<semaphore_mem>>
      %dma_start3A_50 = arith.constant 0 : i32
      %dma_start3A_51 = arith.constant 0 : i32
      %dma_start3A_52 = tpu.memref_slice %arg3[%run_scoped3A, %add3A, %dma_start3A_50, %dma_start3A_51] : memref<2x32x2x64xi32, #tpu.memory_space<hbm>> -> memref<1x1x2x64xi32, #tpu.memory_space<hbm>>
      %dma_start3A_53 = tpu.memref_squeeze %dma_start3A_52 : memref<1x1x2x64xi32, #tpu.memory_space<hbm>> -> memref<2x64xi32, #tpu.memory_space<hbm>>
      %dma_start3A_54 = arith.constant 0 : i32
      %dma_start3A_55 = arith.constant 0 : i32
      %dma_start3A_56 = tpu.memref_slice %arg3[%run_scoped3A, %add3A, %dma_start3A_54, %dma_start3A_55] : memref<2x32x2x64xi32, #tpu.memory_space<hbm>> -> memref<1x1x2x64xi32, #tpu.memory_space<hbm>>
      %dma_start3A_57 = tpu.memref_squeeze %dma_start3A_56 : memref<1x1x2x64xi32, #tpu.memory_space<hbm>> -> memref<2x64xi32, #tpu.memory_space<hbm>>
      tpu.enqueue_dma source(%dma_start3A_57 : memref<2x64xi32, #tpu.memory_space<hbm>>) target(%arg5 : memref<2x64xi32, #tpu.memory_space<vmem>>) target_semaphore(%run_scoped3A_49 : memref<!tpu.dma_semaphore, #tpu.memory_space<semaphore_mem>>)
      %dma_wait3A_58 = arith.constant 0 : i32
      %dma_wait3A_59 = arith.constant 0 : i32
      %dma_wait3A_60 = tpu.memref_slice %arg3[%run_scoped3A, %add3A, %dma_wait3A_58, %dma_wait3A_59] : memref<2x32x2x64xi32, #tpu.memory_space<hbm>> -> memref<1x1x2x64xi32, #tpu.memory_space<hbm>>
      %dma_wait3A_61 = tpu.memref_squeeze %dma_wait3A_60 : memref<1x1x2x64xi32, #tpu.memory_space<hbm>> -> memref<2x64xi32, #tpu.memory_space<hbm>>
      %dma_wait3A_62 = arith.constant 0 : i32
      %dma_wait3A_63 = arith.constant 0 : i32
      %dma_wait3A_64 = tpu.memref_slice %arg3[%run_scoped3A, %add3A, %dma_wait3A_62, %dma_wait3A_63] : memref<2x32x2x64xi32, #tpu.memory_space<hbm>> -> memref<1x1x2x64xi32, #tpu.memory_space<hbm>>
      %dma_wait3A_65 = tpu.memref_squeeze %dma_wait3A_64 : memref<1x1x2x64xi32, #tpu.memory_space<hbm>> -> memref<2x64xi32, #tpu.memory_space<hbm>>
      tpu.wait_dma2 semaphore(%run_scoped3A_49 : memref<!tpu.dma_semaphore, #tpu.memory_space<semaphore_mem>>) src(%dma_wait3A_65 : memref<2x64xi32, #tpu.memory_space<hbm>>) dst(%arg5 : memref<2x64xi32, #tpu.memory_space<vmem>>)
      tpu.yield
    }) : () -> ()
    %dma_start3A = arith.constant 0 : i32
    %dma_start3A_3 = arith.constant 0 : i32
    %dma_start3A_4 = tpu.memref_slice %arg5[%dma_start3A, %dma_start3A_3] : memref<2x64xi32, #tpu.memory_space<vmem>> -> memref<1x64xi32, #tpu.memory_space<vmem>>
    %dma_start3A_5 = tpu.memref_squeeze %dma_start3A_4 : memref<1x64xi32, #tpu.memory_space<vmem>> -> memref<64xi32, #tpu.memory_space<vmem>>
    %dma_start3A_6 = arith.constant 0 : i32
    %dma_start3A_7 = arith.constant 0 : i32
    %dma_start3A_8 = tpu.memref_slice %arg2[%dma_start3A_6, %dma_start3A_7] : memref<16384x768xf32, #tpu.memory_space<hbm>> -> memref<16384x768xf32, #tpu.memory_space<hbm>>
    tpu.enqueue_indirect_dma source(%dma_start3A_8 : memref<16384x768xf32, #tpu.memory_space<hbm>>) target(%arg6 : memref<64x768xf32, #tpu.memory_space<vmem>>) offsets(%dma_start3A_5 : memref<64xi32, #tpu.memory_space<vmem>>) semaphore(%arg8 : memref<!tpu.dma_semaphore, #tpu.memory_space<semaphore_mem>>)
    %dma_wait3A = arith.constant 0 : i32
    %dma_wait3A_9 = arith.constant 0 : i32
    %dma_wait3A_10 = tpu.memref_slice %arg5[%dma_wait3A, %dma_wait3A_9] : memref<2x64xi32, #tpu.memory_space<vmem>> -> memref<1x64xi32, #tpu.memory_space<vmem>>
    %dma_wait3A_11 = tpu.memref_squeeze %dma_wait3A_10 : memref<1x64xi32, #tpu.memory_space<vmem>> -> memref<64xi32, #tpu.memory_space<vmem>>
    %dma_wait3A_12 = arith.constant 0 : i32
    %dma_wait3A_13 = arith.constant 0 : i32
    %dma_wait3A_14 = tpu.memref_slice %arg2[%dma_wait3A_12, %dma_wait3A_13] : memref<16384x768xf32, #tpu.memory_space<hbm>> -> memref<16384x768xf32, #tpu.memory_space<hbm>>
    tpu.wait_indirect_dma semaphore(%arg8 : memref<!tpu.dma_semaphore, #tpu.memory_space<semaphore_mem>>) src(%dma_wait3A_14 : memref<16384x768xf32, #tpu.memory_space<hbm>>) dst(%arg6 : memref<64x768xf32, #tpu.memory_space<vmem>>)
    %add3A_15 = arith.constant 0 : i32
    %add3A_16 = arith.addi %mul3A_2, %add3A_15 : i32
    %dma_start3A_17 = arith.constant 0 : i32
    %dma_start3A_18 = tpu.memref_slice %arg4[%add3A_16, %dma_start3A_17] : memref<4096x768xf32, #tpu.memory_space<hbm>> -> memref<64x768xf32, #tpu.memory_space<hbm>>
    %dma_start3A_19 = arith.constant 0 : i32
    %dma_start3A_20 = tpu.memref_slice %arg4[%add3A_16, %dma_start3A_19] : memref<4096x768xf32, #tpu.memory_space<hbm>> -> memref<64x768xf32, #tpu.memory_space<hbm>>
    tpu.enqueue_dma source(%arg6 : memref<64x768xf32, #tpu.memory_space<vmem>>) target(%dma_start3A_20 : memref<64x768xf32, #tpu.memory_space<hbm>>) target_semaphore(%arg10 : memref<!tpu.dma_semaphore, #tpu.memory_space<semaphore_mem>>)
    %dma_start3A_21 = arith.constant 1 : i32
    %dma_start3A_22 = arith.constant 0 : i32
    %dma_start3A_23 = tpu.memref_slice %arg5[%dma_start3A_21, %dma_start3A_22] : memref<2x64xi32, #tpu.memory_space<vmem>> -> memref<1x64xi32, #tpu.memory_space<vmem>>
    %dma_start3A_24 = tpu.memref_squeeze %dma_start3A_23 : memref<1x64xi32, #tpu.memory_space<vmem>> -> memref<64xi32, #tpu.memory_space<vmem>>
    %dma_start3A_25 = arith.constant 0 : i32
    %dma_start3A_26 = arith.constant 0 : i32
    %dma_start3A_27 = tpu.memref_slice %arg2[%dma_start3A_25, %dma_start3A_26] : memref<16384x768xf32, #tpu.memory_space<hbm>> -> memref<16384x768xf32, #tpu.memory_space<hbm>>
    tpu.enqueue_indirect_dma source(%dma_start3A_27 : memref<16384x768xf32, #tpu.memory_space<hbm>>) target(%arg7 : memref<64x768xf32, #tpu.memory_space<vmem>>) offsets(%dma_start3A_24 : memref<64xi32, #tpu.memory_space<vmem>>) semaphore(%arg9 : memref<!tpu.dma_semaphore, #tpu.memory_space<semaphore_mem>>)
    %dma_wait3A_28 = arith.constant 1 : i32
    %dma_wait3A_29 = arith.constant 0 : i32
    %dma_wait3A_30 = tpu.memref_slice %arg5[%dma_wait3A_28, %dma_wait3A_29] : memref<2x64xi32, #tpu.memory_space<vmem>> -> memref<1x64xi32, #tpu.memory_space<vmem>>
    %dma_wait3A_31 = tpu.memref_squeeze %dma_wait3A_30 : memref<1x64xi32, #tpu.memory_space<vmem>> -> memref<64xi32, #tpu.memory_space<vmem>>
    %dma_wait3A_32 = arith.constant 0 : i32
    %dma_wait3A_33 = arith.constant 0 : i32
    %dma_wait3A_34 = tpu.memref_slice %arg2[%dma_wait3A_32, %dma_wait3A_33] : memref<16384x768xf32, #tpu.memory_space<hbm>> -> memref<16384x768xf32, #tpu.memory_space<hbm>>
    tpu.wait_indirect_dma semaphore(%arg9 : memref<!tpu.dma_semaphore, #tpu.memory_space<semaphore_mem>>) src(%dma_wait3A_34 : memref<16384x768xf32, #tpu.memory_space<hbm>>) dst(%arg7 : memref<64x768xf32, #tpu.memory_space<vmem>>)
    %add3A_35 = arith.constant 64 : i32
    %add3A_36 = arith.addi %mul3A_2, %add3A_35 : i32
    %dma_start3A_37 = arith.constant 0 : i32
    %dma_start3A_38 = tpu.memref_slice %arg4[%add3A_36, %dma_start3A_37] : memref<4096x768xf32, #tpu.memory_space<hbm>> -> memref<64x768xf32, #tpu.memory_space<hbm>>
    %dma_start3A_39 = arith.constant 0 : i32
    %dma_start3A_40 = tpu.memref_slice %arg4[%add3A_36, %dma_start3A_39] : memref<4096x768xf32, #tpu.memory_space<hbm>> -> memref<64x768xf32, #tpu.memory_space<hbm>>
    tpu.enqueue_dma source(%arg7 : memref<64x768xf32, #tpu.memory_space<vmem>>) target(%dma_start3A_40 : memref<64x768xf32, #tpu.memory_space<hbm>>) target_semaphore(%arg11 : memref<!tpu.dma_semaphore, #tpu.memory_space<semaphore_mem>>)
    %dma_wait3A_41 = arith.constant 0 : i32
    %dma_wait3A_42 = tpu.memref_slice %arg4[%add3A_16, %dma_wait3A_41] : memref<4096x768xf32, #tpu.memory_space<hbm>> -> memref<64x768xf32, #tpu.memory_space<hbm>>
    %dma_wait3A_43 = arith.constant 0 : i32
    %dma_wait3A_44 = tpu.memref_slice %arg4[%add3A_16, %dma_wait3A_43] : memref<4096x768xf32, #tpu.memory_space<hbm>> -> memref<64x768xf32, #tpu.memory_space<hbm>>
    tpu.wait_dma2 semaphore(%arg10 : memref<!tpu.dma_semaphore, #tpu.memory_space<semaphore_mem>>) src(%arg6 : memref<64x768xf32, #tpu.memory_space<vmem>>) dst(%dma_wait3A_44 : memref<64x768xf32, #tpu.memory_space<hbm>>)
    %dma_wait3A_45 = arith.constant 0 : i32
    %dma_wait3A_46 = tpu.memref_slice %arg4[%add3A_36, %dma_wait3A_45] : memref<4096x768xf32, #tpu.memory_space<hbm>> -> memref<64x768xf32, #tpu.memory_space<hbm>>
    %dma_wait3A_47 = arith.constant 0 : i32
    %dma_wait3A_48 = tpu.memref_slice %arg4[%add3A_36, %dma_wait3A_47] : memref<4096x768xf32, #tpu.memory_space<hbm>> -> memref<64x768xf32, #tpu.memory_space<hbm>>
    tpu.wait_dma2 semaphore(%arg11 : memref<!tpu.dma_semaphore, #tpu.memory_space<semaphore_mem>>) src(%arg7 : memref<64x768xf32, #tpu.memory_space<vmem>>) dst(%dma_wait3A_48 : memref<64x768xf32, #tpu.memory_space<hbm>>)
    return
  }
}

module attributes {stable_mosaic.version = 14 : i64} {
  func.func @_router_body(%arg0: i32, %arg1: memref<1024x768xf32, #tpu.memory_space<vmem>>, %arg2: memref<768x64xf32, #tpu.memory_space<vmem>>, %arg3: memref<1x1x1024xi32, #tpu.memory_space<vmem>>, %arg4: memref<1x1x1024xi32, #tpu.memory_space<vmem>>, %arg5: memref<1x1x1024xf32, #tpu.memory_space<vmem>>, %arg6: memref<1x1xf32, #tpu.memory_space<vmem>>, %arg7: memref<1x64xi32, #tpu.memory_space<vmem>>, %arg8: memref<1x64xf32, #tpu.memory_space<vmem>>, %arg9: memref<1x64xf32, #tpu.memory_space<vmem>>) attributes {dimension_semantics = [#tpu.dimension_semantics<arbitrary>], iteration_bounds = array<i64: 8>, scalar_prefetch = 0 : i64, scratch_operands = 2 : i64, tpu.core_type = #tpu.core_type<tc>, window_params = [{transform_indices = @transform_0, window_bounds = array<i64: 1024, 768>}, {pipeline_mode = #tpu.pipeline_mode<synchronous>, transform_indices = @transform_1, window_bounds = array<i64: 768, 64>}, {transform_indices = @transform_2, window_bounds = array<i64: 1, 1, 1024>}, {transform_indices = @transform_3, window_bounds = array<i64: 1, 1, 1024>}, {transform_indices = @transform_4, window_bounds = array<i64: 1, 1, 1024>}, {pipeline_mode = #tpu.pipeline_mode<synchronous>, transform_indices = @transform_5, window_bounds = array<i64: 1, 1>}, {pipeline_mode = #tpu.pipeline_mode<synchronous>, transform_indices = @transform_6, window_bounds = array<i64: 1, 64>}]} {
    %eq3A = arith.constant 0 : i32
    %eq3A_0 = arith.cmpi eq, %arg0, %eq3A : i32
    %convert_element_type3A = arith.extui %eq3A_0 : i1 to i32
    %cond3A = arith.constant 0 : i32
    %cond3A_1 = arith.cmpi ne, %convert_element_type3A, %cond3A : i32
    scf.if %cond3A_1 {
      %broadcast_in_dim3A_133 = arith.constant 0.000000e+00 : f32
      %broadcast_in_dim3A_134 = vector.broadcast %broadcast_in_dim3A_133 : f32 to vector<1x64xf32>
      %swap3A_135 = arith.constant 0 : index
      %swap3A_136 = arith.constant 0 : index
      %swap3A_137 = vector.load %arg8[%swap3A_135, %swap3A_136] : memref<1x64xf32, #tpu.memory_space<vmem>>, vector<1x64xf32>
      tpu.vector_store %arg8[%swap3A_135, %swap3A_136], %broadcast_in_dim3A_134 {strides = array<i32>} : memref<1x64xf32, #tpu.memory_space<vmem>>, vector<1x64xf32>,
      %broadcast_in_dim3A_138 = arith.constant 0.000000e+00 : f32
      %broadcast_in_dim3A_139 = vector.broadcast %broadcast_in_dim3A_138 : f32 to vector<1x64xf32>
      %swap3A_140 = arith.constant 0 : index
      %swap3A_141 = arith.constant 0 : index
      %swap3A_142 = vector.load %arg9[%swap3A_140, %swap3A_141] : memref<1x64xf32, #tpu.memory_space<vmem>>, vector<1x64xf32>
      tpu.vector_store %arg9[%swap3A_140, %swap3A_141], %broadcast_in_dim3A_139 {strides = array<i32>} : memref<1x64xf32, #tpu.memory_space<vmem>>, vector<1x64xf32>,
    } else {
    }
    %get3A = arith.constant 0 : index
    %get3A_2 = arith.constant 0 : index
    %get3A_3 = vector.load %arg1[%get3A, %get3A_2] : memref<1024x768xf32, #tpu.memory_space<vmem>>, vector<1024x768xf32>
    %get3A_4 = arith.constant 0 : index
    %get3A_5 = arith.constant 0 : index
    %get3A_6 = vector.load %arg2[%get3A_4, %get3A_5] : memref<768x64xf32, #tpu.memory_space<vmem>>, vector<768x64xf32>
    %dot_general3A = arith.constant dense<0.000000e+00> : vector<1024x64xf32>
    %dot_general3A_7 = tpu.matmul %get3A_3, %get3A_6, %dot_general3A {dimension_numbers = #tpu.dot_dimension_numbers<[1], [0], [0], [1], [0, 0, 1, 1], [], []>, transpose_lhs_hint = false} : vector<1024x768xf32>, vector<768x64xf32>, vector<1024x64xf32> -> vector<1024x64xf32>
    %reduce_max3A = arith.constant dense<0xFF800000> : vector<1024xf32>
    %reduce_max3A_8 = vector.multi_reduction <maximumf>, %dot_general3A_7, %reduce_max3A [1] : vector<1024x64xf32> to vector<1024xf32>
    %broadcast_in_dim3A = vector.shape_cast %reduce_max3A_8 : vector<1024xf32> to vector<1024x1xf32>
    %sub3A = vector.broadcast %broadcast_in_dim3A : vector<1024x1xf32> to vector<1024x64xf32>
    %sub3A_9 = arith.subf %dot_general3A_7, %sub3A : vector<1024x64xf32>
    %exp3A = math.exp %sub3A_9 : vector<1024x64xf32>
    %reduce_sum3A = arith.constant dense<0.000000e+00> : vector<1024xf32>
    %reduce_sum3A_10 = vector.multi_reduction <add>, %exp3A, %reduce_sum3A [1] : vector<1024x64xf32> to vector<1024xf32>
    %broadcast_in_dim3A_11 = vector.shape_cast %reduce_sum3A_10 : vector<1024xf32> to vector<1024x1xf32>
    %div3A = arith.constant 1.000000e+00 : f32
    %div3A_12 = vector.broadcast %div3A : f32 to vector<1024x1xf32>
    %div3A_13 = arith.divf %div3A_12, %broadcast_in_dim3A_11 : vector<1024x1xf32>
    %mul3A = vector.broadcast %div3A_13 : vector<1024x1xf32> to vector<1024x64xf32>
    %mul3A_14 = arith.mulf %exp3A, %mul3A : vector<1024x64xf32>
    %squeeze3A = vector.shape_cast %div3A_13 : vector<1024x1xf32> to vector<1024xf32>
    %iota3A = tpu.iota {dimensions = array<i32: 1>} : vector<1024x64xi32>
    %ge3A = vector.broadcast %broadcast_in_dim3A : vector<1024x1xf32> to vector<1024x64xf32>
    %ge3A_15 = arith.cmpf oge, %dot_general3A_7, %ge3A : vector<1024x64xf32>
    %jit3A = arith.constant 64 : i32
    %broadcast_in_dim3A_16 = vector.broadcast %jit3A : i32 to vector<1024x64xi32>
    %select_n3A = arith.select %ge3A_15, %iota3A, %broadcast_in_dim3A_16 : vector<1024x64xi1>, vector<1024x64xi32>
    %reduce_min3A = arith.constant dense<2147483647> : vector<1024xi32>
    %reduce_min3A_17 = vector.multi_reduction <minsi>, %select_n3A, %reduce_min3A [1] : vector<1024x64xi32> to vector<1024xi32>
    %broadcast_in_dim3A_18 = vector.shape_cast %reduce_min3A_17 : vector<1024xi32> to vector<1024x1xi32>
    %eq3A_19 = vector.broadcast %broadcast_in_dim3A_18 : vector<1024x1xi32> to vector<1024x64xi32>
    %eq3A_20 = arith.cmpi eq, %iota3A, %eq3A_19 : vector<1024x64xi32>
    %convert_element_type3A_21 = arith.extui %eq3A_20 : vector<1024x64xi1> to vector<1024x64xi32>
    %convert_element_type3A_22 = arith.sitofp %convert_element_type3A_21 : vector<1024x64xi32> to vector<1024x64xf32>
    %iota3A_23 = tpu.iota {dimensions = array<i32: 0>} : vector<128x128xi32>
    %iota3A_24 = tpu.iota {dimensions = array<i32: 1>} : vector<128x128xi32>
    %ge3A_25 = arith.cmpi sge, %iota3A_23, %iota3A_24 : vector<128x128xi32>
    %convert_element_type3A_26 = arith.extui %ge3A_25 : vector<128x128xi1> to vector<128x128xi32>
    %convert_element_type3A_27 = arith.sitofp %convert_element_type3A_26 : vector<128x128xi32> to vector<128x128xf32>
    %get3A_28 = arith.constant 0 : index
    %get3A_29 = arith.constant 0 : index
    %get3A_30 = vector.load %arg8[%get3A_28, %get3A_29] : memref<1x64xf32, #tpu.memory_space<vmem>>, vector<1x64xf32>
    %slice3A = vector.extract_strided_slice %convert_element_type3A_22 {offsets = [0, 0], sizes = [128, 64], strides = [1, 1]} : vector<1024x64xf32> to vector<128x64xf32>
    %dot_general3A_31 = arith.constant dense<0.000000e+00> : vector<128x64xf32>
    %dot_general3A_32 = tpu.matmul %convert_element_type3A_27, %slice3A, %dot_general3A_31 {dimension_numbers = #tpu.dot_dimension_numbers<[1], [0], [0], [1], [0, 0, 1, 1], [], []>, transpose_lhs_hint = false} : vector<128x128xf32>, vector<128x64xf32>, vector<128x64xf32> -> vector<128x64xf32>
    %add3A = vector.broadcast %get3A_30 : vector<1x64xf32> to vector<128x64xf32>
    %add3A_33 = arith.addf %dot_general3A_32, %add3A : vector<128x64xf32>
    %slice3A_34 = vector.extract_strided_slice %add3A_33 {offsets = [127, 0], sizes = [1, 64], strides = [1, 1]} : vector<128x64xf32> to vector<1x64xf32>
    %slice3A_35 = vector.extract_strided_slice %convert_element_type3A_22 {offsets = [128, 0], sizes = [128, 64], strides = [1, 1]} : vector<1024x64xf32> to vector<128x64xf32>
    %dot_general3A_36 = arith.constant dense<0.000000e+00> : vector<128x64xf32>
    %dot_general3A_37 = tpu.matmul %convert_element_type3A_27, %slice3A_35, %dot_general3A_36 {dimension_numbers = #tpu.dot_dimension_numbers<[1], [0], [0], [1], [0, 0, 1, 1], [], []>, transpose_lhs_hint = false} : vector<128x128xf32>, vector<128x64xf32>, vector<128x64xf32> -> vector<128x64xf32>
    %add3A_38 = vector.broadcast %slice3A_34 : vector<1x64xf32> to vector<128x64xf32>
    %add3A_39 = arith.addf %dot_general3A_37, %add3A_38 : vector<128x64xf32>
    %slice3A_40 = vector.extract_strided_slice %add3A_39 {offsets = [127, 0], sizes = [1, 64], strides = [1, 1]} : vector<128x64xf32> to vector<1x64xf32>
    %slice3A_41 = vector.extract_strided_slice %convert_element_type3A_22 {offsets = [256, 0], sizes = [128, 64], strides = [1, 1]} : vector<1024x64xf32> to vector<128x64xf32>
    %dot_general3A_42 = arith.constant dense<0.000000e+00> : vector<128x64xf32>
    %dot_general3A_43 = tpu.matmul %convert_element_type3A_27, %slice3A_41, %dot_general3A_42 {dimension_numbers = #tpu.dot_dimension_numbers<[1], [0], [0], [1], [0, 0, 1, 1], [], []>, transpose_lhs_hint = false} : vector<128x128xf32>, vector<128x64xf32>, vector<128x64xf32> -> vector<128x64xf32>
    %add3A_44 = vector.broadcast %slice3A_40 : vector<1x64xf32> to vector<128x64xf32>
    %add3A_45 = arith.addf %dot_general3A_43, %add3A_44 : vector<128x64xf32>
    %slice3A_46 = vector.extract_strided_slice %add3A_45 {offsets = [127, 0], sizes = [1, 64], strides = [1, 1]} : vector<128x64xf32> to vector<1x64xf32>
    %slice3A_47 = vector.extract_strided_slice %convert_element_type3A_22 {offsets = [384, 0], sizes = [128, 64], strides = [1, 1]} : vector<1024x64xf32> to vector<128x64xf32>
    %dot_general3A_48 = arith.constant dense<0.000000e+00> : vector<128x64xf32>
    %dot_general3A_49 = tpu.matmul %convert_element_type3A_27, %slice3A_47, %dot_general3A_48 {dimension_numbers = #tpu.dot_dimension_numbers<[1], [0], [0], [1], [0, 0, 1, 1], [], []>, transpose_lhs_hint = false} : vector<128x128xf32>, vector<128x64xf32>, vector<128x64xf32> -> vector<128x64xf32>
    %add3A_50 = vector.broadcast %slice3A_46 : vector<1x64xf32> to vector<128x64xf32>
    %add3A_51 = arith.addf %dot_general3A_49, %add3A_50 : vector<128x64xf32>
    %slice3A_52 = vector.extract_strided_slice %add3A_51 {offsets = [127, 0], sizes = [1, 64], strides = [1, 1]} : vector<128x64xf32> to vector<1x64xf32>
    %slice3A_53 = vector.extract_strided_slice %convert_element_type3A_22 {offsets = [512, 0], sizes = [128, 64], strides = [1, 1]} : vector<1024x64xf32> to vector<128x64xf32>
    %dot_general3A_54 = arith.constant dense<0.000000e+00> : vector<128x64xf32>
    %dot_general3A_55 = tpu.matmul %convert_element_type3A_27, %slice3A_53, %dot_general3A_54 {dimension_numbers = #tpu.dot_dimension_numbers<[1], [0], [0], [1], [0, 0, 1, 1], [], []>, transpose_lhs_hint = false} : vector<128x128xf32>, vector<128x64xf32>, vector<128x64xf32> -> vector<128x64xf32>
    %add3A_56 = vector.broadcast %slice3A_52 : vector<1x64xf32> to vector<128x64xf32>
    %add3A_57 = arith.addf %dot_general3A_55, %add3A_56 : vector<128x64xf32>
    %slice3A_58 = vector.extract_strided_slice %add3A_57 {offsets = [127, 0], sizes = [1, 64], strides = [1, 1]} : vector<128x64xf32> to vector<1x64xf32>
    %slice3A_59 = vector.extract_strided_slice %convert_element_type3A_22 {offsets = [640, 0], sizes = [128, 64], strides = [1, 1]} : vector<1024x64xf32> to vector<128x64xf32>
    %dot_general3A_60 = arith.constant dense<0.000000e+00> : vector<128x64xf32>
    %dot_general3A_61 = tpu.matmul %convert_element_type3A_27, %slice3A_59, %dot_general3A_60 {dimension_numbers = #tpu.dot_dimension_numbers<[1], [0], [0], [1], [0, 0, 1, 1], [], []>, transpose_lhs_hint = false} : vector<128x128xf32>, vector<128x64xf32>, vector<128x64xf32> -> vector<128x64xf32>
    %add3A_62 = vector.broadcast %slice3A_58 : vector<1x64xf32> to vector<128x64xf32>
    %add3A_63 = arith.addf %dot_general3A_61, %add3A_62 : vector<128x64xf32>
    %slice3A_64 = vector.extract_strided_slice %add3A_63 {offsets = [127, 0], sizes = [1, 64], strides = [1, 1]} : vector<128x64xf32> to vector<1x64xf32>
    %slice3A_65 = vector.extract_strided_slice %convert_element_type3A_22 {offsets = [768, 0], sizes = [128, 64], strides = [1, 1]} : vector<1024x64xf32> to vector<128x64xf32>
    %dot_general3A_66 = arith.constant dense<0.000000e+00> : vector<128x64xf32>
    %dot_general3A_67 = tpu.matmul %convert_element_type3A_27, %slice3A_65, %dot_general3A_66 {dimension_numbers = #tpu.dot_dimension_numbers<[1], [0], [0], [1], [0, 0, 1, 1], [], []>, transpose_lhs_hint = false} : vector<128x128xf32>, vector<128x64xf32>, vector<128x64xf32> -> vector<128x64xf32>
    %add3A_68 = vector.broadcast %slice3A_64 : vector<1x64xf32> to vector<128x64xf32>
    %add3A_69 = arith.addf %dot_general3A_67, %add3A_68 : vector<128x64xf32>
    %slice3A_70 = vector.extract_strided_slice %add3A_69 {offsets = [127, 0], sizes = [1, 64], strides = [1, 1]} : vector<128x64xf32> to vector<1x64xf32>
    %slice3A_71 = vector.extract_strided_slice %convert_element_type3A_22 {offsets = [896, 0], sizes = [128, 64], strides = [1, 1]} : vector<1024x64xf32> to vector<128x64xf32>
    %dot_general3A_72 = arith.constant dense<0.000000e+00> : vector<128x64xf32>
    %dot_general3A_73 = tpu.matmul %convert_element_type3A_27, %slice3A_71, %dot_general3A_72 {dimension_numbers = #tpu.dot_dimension_numbers<[1], [0], [0], [1], [0, 0, 1, 1], [], []>, transpose_lhs_hint = false} : vector<128x128xf32>, vector<128x64xf32>, vector<128x64xf32> -> vector<128x64xf32>
    %add3A_74 = vector.broadcast %slice3A_70 : vector<1x64xf32> to vector<128x64xf32>
    %add3A_75 = arith.addf %dot_general3A_73, %add3A_74 : vector<128x64xf32>
    %slice3A_76 = vector.extract_strided_slice %add3A_75 {offsets = [127, 0], sizes = [1, 64], strides = [1, 1]} : vector<128x64xf32> to vector<1x64xf32>
    %concatenate3A = tpu.concatenate %add3A_33, %add3A_39, %add3A_45, %add3A_51, %add3A_57, %add3A_63, %add3A_69, %add3A_75 in 0 : vector<128x64xf32>, vector<128x64xf32>, vector<128x64xf32>, vector<128x64xf32>, vector<128x64xf32>, vector<128x64xf32>, vector<128x64xf32>, vector<128x64xf32> -> vector<1024x64xf32>
    %mul3A_77 = arith.mulf %concatenate3A, %convert_element_type3A_22 : vector<1024x64xf32>
    %reduce_sum3A_78 = arith.constant dense<0.000000e+00> : vector<1024xf32>
    %reduce_sum3A_79 = vector.multi_reduction <add>, %mul3A_77, %reduce_sum3A_78 [1] : vector<1024x64xf32> to vector<1024xf32>
    %sub3A_80 = arith.constant 1.000000e+00 : f32
    %sub3A_81 = vector.broadcast %sub3A_80 : f32 to vector<1024xf32>
    %sub3A_82 = arith.subf %reduce_sum3A_79, %sub3A_81 : vector<1024xf32>
    %convert_element_type3A_83 = arith.fptosi %sub3A_82 : vector<1024xf32> to vector<1024xi32>
    %swap3A = arith.constant 0 : index
    %swap3A_84 = arith.constant 0 : index
    %swap3A_85 = vector.load %arg8[%swap3A, %swap3A_84] : memref<1x64xf32, #tpu.memory_space<vmem>>, vector<1x64xf32>
    tpu.vector_store %arg8[%swap3A, %swap3A_84], %slice3A_76 {strides = array<i32>} : memref<1x64xf32, #tpu.memory_space<vmem>>, vector<1x64xf32>,
    %get3A_86 = arith.constant 0 : index
    %get3A_87 = arith.constant 0 : index
    %get3A_88 = vector.load %arg9[%get3A_86, %get3A_87] : memref<1x64xf32, #tpu.memory_space<vmem>>, vector<1x64xf32>
    %reduce_sum3A_89 = arith.constant dense<0.000000e+00> : vector<64xf32>
    %reduce_sum3A_90 = vector.multi_reduction <add>, %mul3A_14, %reduce_sum3A_89 [0] : vector<1024x64xf32> to vector<64xf32>
    %broadcast_in_dim3A_91 = vector.shape_cast %reduce_sum3A_90 : vector<64xf32> to vector<1x64xf32>
    %add3A_92 = arith.addf %get3A_88, %broadcast_in_dim3A_91 : vector<1x64xf32>
    %swap3A_93 = arith.constant 0 : index
    %swap3A_94 = arith.constant 0 : index
    %swap3A_95 = vector.load %arg9[%swap3A_93, %swap3A_94] : memref<1x64xf32, #tpu.memory_space<vmem>>, vector<1x64xf32>
    tpu.vector_store %arg9[%swap3A_93, %swap3A_94], %add3A_92 {strides = array<i32>} : memref<1x64xf32, #tpu.memory_space<vmem>>, vector<1x64xf32>,
    %lt3A = arith.constant 256 : i32
    %lt3A_96 = vector.broadcast %lt3A : i32 to vector<1024xi32>
    %lt3A_97 = arith.cmpi slt, %convert_element_type3A_83, %lt3A_96 : vector<1024xi32>
    %mul3A_98 = arith.constant 256 : i32
    %mul3A_99 = vector.broadcast %mul3A_98 : i32 to vector<1024xi32>
    %mul3A_100 = arith.muli %reduce_min3A_17, %mul3A_99 : vector<1024xi32>
    %min3A = arith.constant 255 : i32
    %min3A_101 = vector.broadcast %min3A : i32 to vector<1024xi32>
    %min3A_102 = arith.minsi %convert_element_type3A_83, %min3A_101 : vector<1024xi32>
    %add3A_103 = arith.addi %mul3A_100, %min3A_102 : vector<1024xi32>
    %jit3A_104 = arith.constant 16384 : i32
    %broadcast_in_dim3A_105 = vector.broadcast %jit3A_104 : i32 to vector<1024xi32>
    %select_n3A_106 = arith.select %lt3A_97, %add3A_103, %broadcast_in_dim3A_105 : vector<1024xi1>, vector<1024xi32>
    %broadcast_in_dim3A_107 = vector.shape_cast %select_n3A_106 : vector<1024xi32> to vector<1x1x1024xi32>
    %swap3A_108 = arith.constant 0 : index
    %swap3A_109 = arith.constant 0 : index
    %swap3A_110 = arith.constant 0 : index
    %swap3A_111 = vector.load %arg3[%swap3A_108, %swap3A_109, %swap3A_110] : memref<1x1x1024xi32, #tpu.memory_space<vmem>>, vector<1x1x1024xi32>
    tpu.vector_store %arg3[%swap3A_108, %swap3A_109, %swap3A_110], %broadcast_in_dim3A_107 {strides = array<i32>} : memref<1x1x1024xi32, #tpu.memory_space<vmem>>, vector<1x1x1024xi32>,
    %jit3A_112 = arith.constant 0 : i32
    %broadcast_in_dim3A_113 = vector.broadcast %jit3A_112 : i32 to vector<1024xi32>
    %select_n3A_114 = arith.select %lt3A_97, %add3A_103, %broadcast_in_dim3A_113 : vector<1024xi1>, vector<1024xi32>
    %broadcast_in_dim3A_115 = vector.shape_cast %select_n3A_114 : vector<1024xi32> to vector<1x1x1024xi32>
    %swap3A_116 = arith.constant 0 : index
    %swap3A_117 = arith.constant 0 : index
    %swap3A_118 = arith.constant 0 : index
    %swap3A_119 = vector.load %arg4[%swap3A_116, %swap3A_117, %swap3A_118] : memref<1x1x1024xi32, #tpu.memory_space<vmem>>, vector<1x1x1024xi32>
    tpu.vector_store %arg4[%swap3A_116, %swap3A_117, %swap3A_118], %broadcast_in_dim3A_115 {strides = array<i32>} : memref<1x1x1024xi32, #tpu.memory_space<vmem>>, vector<1x1x1024xi32>,
    %jit3A_120 = arith.constant 0.000000e+00 : f32
    %broadcast_in_dim3A_121 = vector.broadcast %jit3A_120 : f32 to vector<1024xf32>
    %select_n3A_122 = arith.select %lt3A_97, %squeeze3A, %broadcast_in_dim3A_121 : vector<1024xi1>, vector<1024xf32>
    %broadcast_in_dim3A_123 = vector.shape_cast %select_n3A_122 : vector<1024xf32> to vector<1x1x1024xf32>
    %swap3A_124 = arith.constant 0 : index
    %swap3A_125 = arith.constant 0 : index
    %swap3A_126 = arith.constant 0 : index
    %swap3A_127 = vector.load %arg5[%swap3A_124, %swap3A_125, %swap3A_126] : memref<1x1x1024xf32, #tpu.memory_space<vmem>>, vector<1x1x1024xf32>
    tpu.vector_store %arg5[%swap3A_124, %swap3A_125, %swap3A_126], %broadcast_in_dim3A_123 {strides = array<i32>} : memref<1x1x1024xf32, #tpu.memory_space<vmem>>, vector<1x1x1024xf32>,
    %eq3A_128 = arith.constant 7 : i32
    %eq3A_129 = arith.cmpi eq, %arg0, %eq3A_128 : i32
    %convert_element_type3A_130 = arith.extui %eq3A_129 : i1 to i32
    %cond3A_131 = arith.constant 0 : i32
    %cond3A_132 = arith.cmpi ne, %convert_element_type3A_130, %cond3A_131 : i32
    scf.if %cond3A_132 {
      %get3A_133 = arith.constant 0 : index
      %get3A_134 = arith.constant 0 : index
      %get3A_135 = vector.load %arg8[%get3A_133, %get3A_134] : memref<1x64xf32, #tpu.memory_space<vmem>>, vector<1x64xf32>
      %div3A_136 = arith.constant 8.192000e+03 : f32
      %div3A_137 = vector.broadcast %div3A_136 : f32 to vector<1x64xf32>
      %div3A_138 = arith.divf %get3A_135, %div3A_137 : vector<1x64xf32>
      %get3A_139 = arith.constant 0 : index
      %get3A_140 = arith.constant 0 : index
      %get3A_141 = vector.load %arg9[%get3A_139, %get3A_140] : memref<1x64xf32, #tpu.memory_space<vmem>>, vector<1x64xf32>
      %div3A_142 = arith.constant 8.192000e+03 : f32
      %div3A_143 = vector.broadcast %div3A_142 : f32 to vector<1x64xf32>
      %div3A_144 = arith.divf %get3A_141, %div3A_143 : vector<1x64xf32>
      %mul3A_145 = arith.mulf %div3A_138, %div3A_144 : vector<1x64xf32>
      %reduce_sum3A_146 = vector.shape_cast %mul3A_145 : vector<1x64xf32> to vector<1x1x64xf32>
      %reduce_sum3A_147 = arith.constant dense<0.000000e+00> : vector<1xf32>
      %reduce_sum3A_148 = vector.multi_reduction <add>, %reduce_sum3A_146, %reduce_sum3A_147 [1, 2] : vector<1x1x64xf32> to vector<1xf32>
      %reduce_sum3A_149 = vector.shape_cast %reduce_sum3A_148 : vector<1xf32> to vector<1x1x1xf32>
      %reduce_sum3A_150 = vector.extract %reduce_sum3A_149[0, 0, 0] : f32 from vector<1x1x1xf32>
      %mul3A_151 = arith.constant 6.400000e+01 : f32
      %mul3A_152 = arith.mulf %mul3A_151, %reduce_sum3A_150 : f32
      %reshape3A = vector.broadcast %mul3A_152 : f32 to vector<1x1xf32>
      %swap3A_153 = arith.constant 0 : index
      %swap3A_154 = arith.constant 0 : index
      %swap3A_155 = vector.load %arg6[%swap3A_153, %swap3A_154] : memref<1x1xf32, #tpu.memory_space<vmem>>, vector<1x1xf32>
      tpu.vector_store %arg6[%swap3A_153, %swap3A_154], %reshape3A {strides = array<i32>} : memref<1x1xf32, #tpu.memory_space<vmem>>, vector<1x1xf32>,
      %get3A_156 = arith.constant 0 : index
      %get3A_157 = arith.constant 0 : index
      %get3A_158 = vector.load %arg8[%get3A_156, %get3A_157] : memref<1x64xf32, #tpu.memory_space<vmem>>, vector<1x64xf32>
      %convert_element_type3A_159 = arith.fptosi %get3A_158 : vector<1x64xf32> to vector<1x64xi32>
      %swap3A_160 = arith.constant 0 : index
      %swap3A_161 = arith.constant 0 : index
      %swap3A_162 = vector.load %arg7[%swap3A_160, %swap3A_161] : memref<1x64xi32, #tpu.memory_space<vmem>>, vector<1x64xi32>
      tpu.vector_store %arg7[%swap3A_160, %swap3A_161], %convert_element_type3A_159 {strides = array<i32>} : memref<1x64xi32, #tpu.memory_space<vmem>>, vector<1x64xi32>,
    } else {
    }
    return
  }
  func.func @transform_0(%arg0: i32) -> (i32, i32) {
    %c0_i32 = arith.constant 0 : i32
    %c0_i32_0 = arith.constant 0 : i32
    return %arg0, %c0_i32 : i32, i32
  }
  func.func @transform_1(%arg0: i32) -> (i32, i32) {
    %c0_i32 = arith.constant 0 : i32
    %c0_i32_0 = arith.constant 0 : i32
    %c0_i32_1 = arith.constant 0 : i32
    return %c0_i32, %c0_i32_0 : i32, i32
  }
  func.func @transform_2(%arg0: i32) -> (i32, i32, i32) {
    %c0_i32 = arith.constant 0 : i32
    %c0_i32_0 = arith.constant 0 : i32
    %c0_i32_1 = arith.constant 0 : i32
    return %arg0, %c0_i32, %c0_i32_0 : i32, i32, i32
  }
  func.func @transform_3(%arg0: i32) -> (i32, i32, i32) {
    %c0_i32 = arith.constant 0 : i32
    %c0_i32_0 = arith.constant 0 : i32
    %c0_i32_1 = arith.constant 0 : i32
    return %arg0, %c0_i32, %c0_i32_0 : i32, i32, i32
  }
  func.func @transform_4(%arg0: i32) -> (i32, i32, i32) {
    %c0_i32 = arith.constant 0 : i32
    %c0_i32_0 = arith.constant 0 : i32
    %c0_i32_1 = arith.constant 0 : i32
    return %arg0, %c0_i32, %c0_i32_0 : i32, i32, i32
  }
  func.func @transform_5(%arg0: i32) -> (i32, i32) {
    %c0_i32 = arith.constant 0 : i32
    %c0_i32_0 = arith.constant 0 : i32
    %c0_i32_1 = arith.constant 0 : i32
    return %c0_i32, %c0_i32_0 : i32, i32
  }
  func.func @transform_6(%arg0: i32) -> (i32, i32) {
    %c0_i32 = arith.constant 0 : i32
    %c0_i32_0 = arith.constant 0 : i32
    %c0_i32_1 = arith.constant 0 : i32
    return %c0_i32, %c0_i32_0 : i32, i32
  }
}

module attributes {stable_mosaic.version = 14 : i64} {
  func.func @body(%arg0: i32, %arg1: memref<2048x768xf32, #tpu.memory_space<vmem>>, %arg2: memref<8192x768xf32, #tpu.memory_space<any>>, %arg3: memref<2048x768xf32, #tpu.memory_space<vmem>>, %arg4: memref<2x1x1024xf32, #tpu.memory_space<vmem>>, %arg5: memref<1x768xf32, #tpu.memory_space<vmem>>, %arg6: memref<1x768xf32, #tpu.memory_space<vmem>>, %arg7: memref<2048x768xf32, #tpu.memory_space<vmem>>) attributes {dimension_semantics = [#tpu.dimension_semantics<arbitrary>], iteration_bounds = array<i64: 2>, scalar_prefetch = 0 : i64, scratch_operands = 0 : i64, tpu.core_type = #tpu.core_type<tc>, window_params = [{transform_indices = @transform_0, window_bounds = array<i64: 2048, 768>}, {}, {transform_indices = @transform_2, window_bounds = array<i64: 2048, 768>}, {transform_indices = @transform_3, window_bounds = array<i64: 2, 1, 1024>}, {pipeline_mode = #tpu.pipeline_mode<synchronous>, transform_indices = @transform_4, window_bounds = array<i64: 1, 768>}, {pipeline_mode = #tpu.pipeline_mode<synchronous>, transform_indices = @transform_5, window_bounds = array<i64: 1, 768>}, {transform_indices = @transform_6, window_bounds = array<i64: 2048, 768>}]} {
    %get3A = arith.constant 0 : index
    %get3A_0 = arith.constant 0 : index
    %get3A_1 = arith.constant 0 : index
    %get3A_2 = vector.load %arg4[%get3A, %get3A_0, %get3A_1] : memref<2x1x1024xf32, #tpu.memory_space<vmem>>, vector<1x1x1024xf32>
    %get3A_3 = vector.shape_cast %get3A_2 : vector<1x1x1024xf32> to vector<1x1024xf32>
    %reshape3A = vector.shape_cast %get3A_3 : vector<1x1024xf32> to vector<1024x1xf32>
    %get3A_4 = arith.constant 1 : index
    %get3A_5 = arith.constant 0 : index
    %get3A_6 = arith.constant 0 : index
    %get3A_7 = vector.load %arg4[%get3A_4, %get3A_5, %get3A_6] : memref<2x1x1024xf32, #tpu.memory_space<vmem>>, vector<1x1x1024xf32>
    %get3A_8 = vector.shape_cast %get3A_7 : vector<1x1x1024xf32> to vector<1x1024xf32>
    %reshape3A_9 = vector.shape_cast %get3A_8 : vector<1x1024xf32> to vector<1024x1xf32>
    %concatenate3A = tpu.concatenate %reshape3A, %reshape3A_9 in 0 : vector<1024x1xf32>, vector<1024x1xf32> -> vector<2048x1xf32>
    %gt3A = arith.constant 0.000000e+00 : f32
    %gt3A_10 = vector.broadcast %gt3A : f32 to vector<2048x1xf32>
    %gt3A_11 = arith.cmpf ogt, %concatenate3A, %gt3A_10 : vector<2048x1xf32>
    %get3A_12 = arith.constant 0 : index
    %get3A_13 = arith.constant 0 : index
    %get3A_14 = vector.load %arg1[%get3A_12, %get3A_13] : memref<2048x768xf32, #tpu.memory_space<vmem>>, vector<2048x768xf32>
    %mul3A = vector.broadcast %concatenate3A : vector<2048x1xf32> to vector<2048x768xf32>
    %mul3A_15 = arith.mulf %get3A_14, %mul3A : vector<2048x768xf32>
    %jit3A = arith.constant 0.000000e+00 : f32
    %broadcast_in_dim3A = vector.shape_cast %gt3A_11 : vector<2048x1xi1> to vector<2048x1xi1>
    %broadcast_in_dim3A_16 = vector.broadcast %broadcast_in_dim3A : vector<2048x1xi1> to vector<2048x768xi1>
    %broadcast_in_dim3A_17 = vector.broadcast %jit3A : f32 to vector<2048x768xf32>
    %select_n3A = arith.select %broadcast_in_dim3A_16, %mul3A_15, %broadcast_in_dim3A_17 : vector<2048x768xi1>, vector<2048x768xf32>
    %get3A_18 = arith.constant 0 : index
    %get3A_19 = arith.constant 0 : index
    %get3A_20 = vector.load %arg3[%get3A_18, %get3A_19] : memref<2048x768xf32, #tpu.memory_space<vmem>>, vector<2048x768xf32>
    %add3A = arith.addf %select_n3A, %get3A_20 : vector<2048x768xf32>
    %reduce_sum3A = arith.constant dense<0.000000e+00> : vector<2048xf32>
    %reduce_sum3A_21 = vector.multi_reduction <add>, %add3A, %reduce_sum3A [1] : vector<2048x768xf32> to vector<2048xf32>
    %broadcast_in_dim3A_22 = vector.shape_cast %reduce_sum3A_21 : vector<2048xf32> to vector<2048x1xf32>
    %div3A = arith.constant 7.680000e+02 : f32
    %div3A_23 = vector.broadcast %div3A : f32 to vector<2048x1xf32>
    %div3A_24 = arith.divf %broadcast_in_dim3A_22, %div3A_23 : vector<2048x1xf32>
    %sub3A = vector.broadcast %div3A_24 : vector<2048x1xf32> to vector<2048x768xf32>
    %sub3A_25 = arith.subf %add3A, %sub3A : vector<2048x768xf32>
    %mul3A_26 = arith.mulf %sub3A_25, %sub3A_25 : vector<2048x768xf32>
    %reduce_sum3A_27 = arith.constant dense<0.000000e+00> : vector<2048xf32>
    %reduce_sum3A_28 = vector.multi_reduction <add>, %mul3A_26, %reduce_sum3A_27 [1] : vector<2048x768xf32> to vector<2048xf32>
    %broadcast_in_dim3A_29 = vector.shape_cast %reduce_sum3A_28 : vector<2048xf32> to vector<2048x1xf32>
    %div3A_30 = arith.constant 7.680000e+02 : f32
    %div3A_31 = vector.broadcast %div3A_30 : f32 to vector<2048x1xf32>
    %div3A_32 = arith.divf %broadcast_in_dim3A_29, %div3A_31 : vector<2048x1xf32>
    %add3A_33 = arith.constant 9.99999974E-6 : f32
    %add3A_34 = vector.broadcast %add3A_33 : f32 to vector<2048x1xf32>
    %add3A_35 = arith.addf %div3A_32, %add3A_34 : vector<2048x1xf32>
    %rsqrt3A = math.rsqrt %add3A_35 : vector<2048x1xf32>
    %mul3A_36 = vector.broadcast %rsqrt3A : vector<2048x1xf32> to vector<2048x768xf32>
    %mul3A_37 = arith.mulf %sub3A_25, %mul3A_36 : vector<2048x768xf32>
    %get3A_38 = arith.constant 0 : index
    %get3A_39 = arith.constant 0 : index
    %get3A_40 = vector.load %arg5[%get3A_38, %get3A_39] : memref<1x768xf32, #tpu.memory_space<vmem>>, vector<1x768xf32>
    %mul3A_41 = vector.broadcast %get3A_40 : vector<1x768xf32> to vector<2048x768xf32>
    %mul3A_42 = arith.mulf %mul3A_37, %mul3A_41 : vector<2048x768xf32>
    %get3A_43 = arith.constant 0 : index
    %get3A_44 = arith.constant 0 : index
    %get3A_45 = vector.load %arg6[%get3A_43, %get3A_44] : memref<1x768xf32, #tpu.memory_space<vmem>>, vector<1x768xf32>
    %add3A_46 = vector.broadcast %get3A_45 : vector<1x768xf32> to vector<2048x768xf32>
    %add3A_47 = arith.addf %mul3A_42, %add3A_46 : vector<2048x768xf32>
    %swap3A = arith.constant 0 : index
    %swap3A_48 = arith.constant 0 : index
    %swap3A_49 = vector.load %arg7[%swap3A, %swap3A_48] : memref<2048x768xf32, #tpu.memory_space<vmem>>, vector<2048x768xf32>
    tpu.vector_store %arg7[%swap3A, %swap3A_48], %add3A_47 {strides = array<i32>} : memref<2048x768xf32, #tpu.memory_space<vmem>>, vector<2048x768xf32>,
    return
  }
  func.func @transform_0(%arg0: i32) -> (i32, i32) {
    %c0_i32 = arith.constant 0 : i32
    %c0_i32_0 = arith.constant 0 : i32
    return %arg0, %c0_i32 : i32, i32
  }
  func.func @transform_2(%arg0: i32) -> (i32, i32) {
    %add3A = arith.constant 2 : i32
    %add3A_0 = arith.addi %arg0, %add3A : i32
    %c0_i32 = arith.constant 0 : i32
    %c0_i32_1 = arith.constant 0 : i32
    return %add3A_0, %c0_i32 : i32, i32
  }
  func.func @transform_3(%arg0: i32) -> (i32, i32, i32) {
    %add3A = arith.constant 2 : i32
    %add3A_0 = arith.addi %arg0, %add3A : i32
    %c0_i32 = arith.constant 0 : i32
    %c0_i32_1 = arith.constant 0 : i32
    %c0_i32_2 = arith.constant 0 : i32
    return %add3A_0, %c0_i32, %c0_i32_1 : i32, i32, i32
  }
  func.func @transform_4(%arg0: i32) -> (i32, i32) {
    %c0_i32 = arith.constant 0 : i32
    %c0_i32_0 = arith.constant 0 : i32
    %c0_i32_1 = arith.constant 0 : i32
    return %c0_i32, %c0_i32_0 : i32, i32
  }
  func.func @transform_5(%arg0: i32) -> (i32, i32) {
    %c0_i32 = arith.constant 0 : i32
    %c0_i32_0 = arith.constant 0 : i32
    %c0_i32_1 = arith.constant 0 : i32
    return %c0_i32, %c0_i32_0 : i32, i32
  }
  func.func @transform_6(%arg0: i32) -> (i32, i32) {
    %add3A = arith.constant 2 : i32
    %add3A_0 = arith.addi %arg0, %add3A : i32
    %c0_i32 = arith.constant 0 : i32
    %c0_i32_1 = arith.constant 0 : i32
    return %add3A_0, %c0_i32 : i32, i32
  }
}

module attributes {stable_mosaic.version = 14 : i64} {
  func.func @_ffn_body(%arg0: i32, %arg1: memref<64xi32, #tpu.memory_space<smem>>, %arg2: memref<256x768xf32, #tpu.memory_space<vmem>>, %arg3: memref<1x768x768xf32, #tpu.memory_space<vmem>>, %arg4: memref<64x768xf32, #tpu.memory_space<vmem>>, %arg5: memref<1x768x768xf32, #tpu.memory_space<vmem>>, %arg6: memref<64x768xf32, #tpu.memory_space<vmem>>, %arg7: memref<256x768xf32, #tpu.memory_space<vmem>>) attributes {dimension_semantics = [#tpu.dimension_semantics<parallel>], iteration_bounds = array<i64: 64>, scalar_prefetch = 1 : i64, scratch_operands = 0 : i64, tpu.core_type = #tpu.core_type<tc>, window_params = [{transform_indices = @transform_0, window_bounds = array<i64: 256, 768>}, {transform_indices = @transform_1, window_bounds = array<i64: 1, 768, 768>}, {pipeline_mode = #tpu.pipeline_mode<synchronous>, transform_indices = @transform_2, window_bounds = array<i64: 64, 768>}, {transform_indices = @transform_3, window_bounds = array<i64: 1, 768, 768>}, {pipeline_mode = #tpu.pipeline_mode<synchronous>, transform_indices = @transform_4, window_bounds = array<i64: 64, 768>}, {transform_indices = @transform_5, window_bounds = array<i64: 256, 768>}]} {
    %get3A = arith.index_cast %arg0 : i32 to index
    %get3A_0 = memref.load %arg1[%get3A] : memref<64xi32, #tpu.memory_space<smem>>
    %gt3A = arith.constant 128 : i32
    %gt3A_1 = arith.cmpi sgt, %get3A_0, %gt3A : i32
    %convert_element_type3A = arith.extui %gt3A_1 : i1 to i32
    %cond3A = arith.constant 0 : i32
    %cond3A_2 = arith.cmpi ne, %convert_element_type3A, %cond3A : i32
    scf.if %cond3A_2 {
      %get3A_9 = arith.constant 0 : index
      %get3A_10 = arith.constant 0 : index
      %get3A_11 = vector.load %arg2[%get3A_9, %get3A_10] : memref<256x768xf32, #tpu.memory_space<vmem>>, vector<256x768xf32>
      %get3A_12 = arith.constant 0 : index
      %get3A_13 = arith.constant 0 : index
      %get3A_14 = arith.constant 0 : index
      %get3A_15 = vector.load %arg3[%get3A_12, %get3A_13, %get3A_14] : memref<1x768x768xf32, #tpu.memory_space<vmem>>, vector<1x768x768xf32>
      %get3A_16 = vector.shape_cast %get3A_15 : vector<1x768x768xf32> to vector<768x768xf32>
      %convert_element_type3A_17 = arith.truncf %get3A_16 : vector<768x768xf32> to vector<768x768xbf16>
      %convert_element_type3A_18 = arith.truncf %get3A_11 : vector<256x768xf32> to vector<256x768xbf16>
      %dot_general3A = arith.constant dense<0.000000e+00> : vector<256x768xf32>
      %dot_general3A_19 = tpu.matmul %convert_element_type3A_18, %convert_element_type3A_17, %dot_general3A {dimension_numbers = #tpu.dot_dimension_numbers<[1], [0], [0], [1], [0, 0, 1, 1], [], []>, transpose_lhs_hint = false} : vector<256x768xbf16>, vector<768x768xbf16>, vector<256x768xf32> -> vector<256x768xf32>
      %get3A_20 = arith.index_cast %arg0 : i32 to index
      %get3A_21 = arith.constant 0 : index
      %get3A_22 = vector.load %arg4[%get3A_20, %get3A_21] : memref<64x768xf32, #tpu.memory_space<vmem>>, vector<1x768xf32>
      %add3A = vector.broadcast %get3A_22 : vector<1x768xf32> to vector<256x768xf32>
      %add3A_23 = arith.addf %dot_general3A_19, %add3A : vector<256x768xf32>
      %max3A = arith.constant 0.000000e+00 : f32
      %max3A_24 = vector.broadcast %max3A : f32 to vector<256x768xf32>
      %max3A_25 = arith.maximumf %add3A_23, %max3A_24 : vector<256x768xf32>
      %get3A_26 = arith.constant 0 : index
      %get3A_27 = arith.constant 0 : index
      %get3A_28 = arith.constant 0 : index
      %get3A_29 = vector.load %arg5[%get3A_26, %get3A_27, %get3A_28] : memref<1x768x768xf32, #tpu.memory_space<vmem>>, vector<1x768x768xf32>
      %get3A_30 = vector.shape_cast %get3A_29 : vector<1x768x768xf32> to vector<768x768xf32>
      %convert_element_type3A_31 = arith.truncf %get3A_30 : vector<768x768xf32> to vector<768x768xbf16>
      %convert_element_type3A_32 = arith.truncf %max3A_25 : vector<256x768xf32> to vector<256x768xbf16>
      %dot_general3A_33 = arith.constant dense<0.000000e+00> : vector<256x768xf32>
      %dot_general3A_34 = tpu.matmul %convert_element_type3A_32, %convert_element_type3A_31, %dot_general3A_33 {dimension_numbers = #tpu.dot_dimension_numbers<[1], [0], [0], [1], [0, 0, 1, 1], [], []>, transpose_lhs_hint = false} : vector<256x768xbf16>, vector<768x768xbf16>, vector<256x768xf32> -> vector<256x768xf32>
      %get3A_35 = arith.index_cast %arg0 : i32 to index
      %get3A_36 = arith.constant 0 : index
      %get3A_37 = vector.load %arg6[%get3A_35, %get3A_36] : memref<64x768xf32, #tpu.memory_space<vmem>>, vector<1x768xf32>
      %add3A_38 = vector.broadcast %get3A_37 : vector<1x768xf32> to vector<256x768xf32>
      %add3A_39 = arith.addf %dot_general3A_34, %add3A_38 : vector<256x768xf32>
      %swap3A = arith.constant 0 : index
      %swap3A_40 = arith.constant 0 : index
      %swap3A_41 = vector.load %arg7[%swap3A, %swap3A_40] : memref<256x768xf32, #tpu.memory_space<vmem>>, vector<256x768xf32>
      tpu.vector_store %arg7[%swap3A, %swap3A_40], %add3A_39 {strides = array<i32>} : memref<256x768xf32, #tpu.memory_space<vmem>>, vector<256x768xf32>,
    } else {
    }
    %gt3A_3 = arith.constant 0 : i32
    %gt3A_4 = arith.cmpi sgt, %get3A_0, %gt3A_3 : i32
    %le3A = arith.constant 128 : i32
    %le3A_5 = arith.cmpi sle, %get3A_0, %le3A : i32
    %and3A = arith.andi %gt3A_4, %le3A_5 : i1
    %convert_element_type3A_6 = arith.extui %and3A : i1 to i32
    %cond3A_7 = arith.constant 0 : i32
    %cond3A_8 = arith.cmpi ne, %convert_element_type3A_6, %cond3A_7 : i32
    scf.if %cond3A_8 {
      %get3A_9 = arith.constant 0 : index
      %get3A_10 = arith.constant 0 : index
      %get3A_11 = vector.load %arg2[%get3A_9, %get3A_10] : memref<256x768xf32, #tpu.memory_space<vmem>>, vector<128x768xf32>
      %get3A_12 = arith.constant 0 : index
      %get3A_13 = arith.constant 0 : index
      %get3A_14 = arith.constant 0 : index
      %get3A_15 = vector.load %arg3[%get3A_12, %get3A_13, %get3A_14] : memref<1x768x768xf32, #tpu.memory_space<vmem>>, vector<1x768x768xf32>
      %get3A_16 = vector.shape_cast %get3A_15 : vector<1x768x768xf32> to vector<768x768xf32>
      %convert_element_type3A_17 = arith.truncf %get3A_16 : vector<768x768xf32> to vector<768x768xbf16>
      %convert_element_type3A_18 = arith.truncf %get3A_11 : vector<128x768xf32> to vector<128x768xbf16>
      %dot_general3A = arith.constant dense<0.000000e+00> : vector<128x768xf32>
      %dot_general3A_19 = tpu.matmul %convert_element_type3A_18, %convert_element_type3A_17, %dot_general3A {dimension_numbers = #tpu.dot_dimension_numbers<[1], [0], [0], [1], [0, 0, 1, 1], [], []>, transpose_lhs_hint = false} : vector<128x768xbf16>, vector<768x768xbf16>, vector<128x768xf32> -> vector<128x768xf32>
      %get3A_20 = arith.index_cast %arg0 : i32 to index
      %get3A_21 = arith.constant 0 : index
      %get3A_22 = vector.load %arg4[%get3A_20, %get3A_21] : memref<64x768xf32, #tpu.memory_space<vmem>>, vector<1x768xf32>
      %add3A = vector.broadcast %get3A_22 : vector<1x768xf32> to vector<128x768xf32>
      %add3A_23 = arith.addf %dot_general3A_19, %add3A : vector<128x768xf32>
      %max3A = arith.constant 0.000000e+00 : f32
      %max3A_24 = vector.broadcast %max3A : f32 to vector<128x768xf32>
      %max3A_25 = arith.maximumf %add3A_23, %max3A_24 : vector<128x768xf32>
      %get3A_26 = arith.constant 0 : index
      %get3A_27 = arith.constant 0 : index
      %get3A_28 = arith.constant 0 : index
      %get3A_29 = vector.load %arg5[%get3A_26, %get3A_27, %get3A_28] : memref<1x768x768xf32, #tpu.memory_space<vmem>>, vector<1x768x768xf32>
      %get3A_30 = vector.shape_cast %get3A_29 : vector<1x768x768xf32> to vector<768x768xf32>
      %convert_element_type3A_31 = arith.truncf %get3A_30 : vector<768x768xf32> to vector<768x768xbf16>
      %convert_element_type3A_32 = arith.truncf %max3A_25 : vector<128x768xf32> to vector<128x768xbf16>
      %dot_general3A_33 = arith.constant dense<0.000000e+00> : vector<128x768xf32>
      %dot_general3A_34 = tpu.matmul %convert_element_type3A_32, %convert_element_type3A_31, %dot_general3A_33 {dimension_numbers = #tpu.dot_dimension_numbers<[1], [0], [0], [1], [0, 0, 1, 1], [], []>, transpose_lhs_hint = false} : vector<128x768xbf16>, vector<768x768xbf16>, vector<128x768xf32> -> vector<128x768xf32>
      %get3A_35 = arith.index_cast %arg0 : i32 to index
      %get3A_36 = arith.constant 0 : index
      %get3A_37 = vector.load %arg6[%get3A_35, %get3A_36] : memref<64x768xf32, #tpu.memory_space<vmem>>, vector<1x768xf32>
      %add3A_38 = vector.broadcast %get3A_37 : vector<1x768xf32> to vector<128x768xf32>
      %add3A_39 = arith.addf %dot_general3A_34, %add3A_38 : vector<128x768xf32>
      %swap3A = arith.constant 0 : index
      %swap3A_40 = arith.constant 0 : index
      %swap3A_41 = vector.load %arg7[%swap3A, %swap3A_40] : memref<256x768xf32, #tpu.memory_space<vmem>>, vector<128x768xf32>
      tpu.vector_store %arg7[%swap3A, %swap3A_40], %add3A_39 {strides = array<i32>} : memref<256x768xf32, #tpu.memory_space<vmem>>, vector<128x768xf32>,
    } else {
    }
    return
  }
  func.func @transform_0(%arg0: i32, %arg1: memref<64xi32, #tpu.memory_space<smem>>) -> (i32, i32) {
    %c0_i32 = arith.constant 0 : i32
    %c0_i32_0 = arith.constant 0 : i32
    return %arg0, %c0_i32 : i32, i32
  }
  func.func @transform_1(%arg0: i32, %arg1: memref<64xi32, #tpu.memory_space<smem>>) -> (i32, i32, i32) {
    %c0_i32 = arith.constant 0 : i32
    %c0_i32_0 = arith.constant 0 : i32
    %c0_i32_1 = arith.constant 0 : i32
    return %arg0, %c0_i32, %c0_i32_0 : i32, i32, i32
  }
  func.func @transform_2(%arg0: i32, %arg1: memref<64xi32, #tpu.memory_space<smem>>) -> (i32, i32) {
    %c0_i32 = arith.constant 0 : i32
    %c0_i32_0 = arith.constant 0 : i32
    %c0_i32_1 = arith.constant 0 : i32
    return %c0_i32, %c0_i32_0 : i32, i32
  }
  func.func @transform_3(%arg0: i32, %arg1: memref<64xi32, #tpu.memory_space<smem>>) -> (i32, i32, i32) {
    %c0_i32 = arith.constant 0 : i32
    %c0_i32_0 = arith.constant 0 : i32
    %c0_i32_1 = arith.constant 0 : i32
    return %arg0, %c0_i32, %c0_i32_0 : i32, i32, i32
  }
  func.func @transform_4(%arg0: i32, %arg1: memref<64xi32, #tpu.memory_space<smem>>) -> (i32, i32) {
    %c0_i32 = arith.constant 0 : i32
    %c0_i32_0 = arith.constant 0 : i32
    %c0_i32_1 = arith.constant 0 : i32
    return %c0_i32, %c0_i32_0 : i32, i32
  }
  func.func @transform_5(%arg0: i32, %arg1: memref<64xi32, #tpu.memory_space<smem>>) -> (i32, i32) {
    %c0_i32 = arith.constant 0 : i32
    %c0_i32_0 = arith.constant 0 : i32
    return %arg0, %c0_i32 : i32, i32
  }
}

module attributes {stable_mosaic.version = 14 : i64} {
  func.func @body(%arg0: i32, %arg1: memref<2048x768xf32, #tpu.memory_space<vmem>>, %arg2: memref<2048x768xf32, #tpu.memory_space<vmem>>, %arg3: memref<2x1x1024xf32, #tpu.memory_space<vmem>>, %arg4: memref<1x768xf32, #tpu.memory_space<vmem>>, %arg5: memref<1x768xf32, #tpu.memory_space<vmem>>, %arg6: memref<2048x768xf32, #tpu.memory_space<vmem>>) attributes {dimension_semantics = [#tpu.dimension_semantics<arbitrary>], iteration_bounds = array<i64: 2>, scalar_prefetch = 0 : i64, scratch_operands = 0 : i64, tpu.core_type = #tpu.core_type<tc>, window_params = [{transform_indices = @transform_0, window_bounds = array<i64: 2048, 768>}, {transform_indices = @transform_1, window_bounds = array<i64: 2048, 768>}, {transform_indices = @transform_2, window_bounds = array<i64: 2, 1, 1024>}, {pipeline_mode = #tpu.pipeline_mode<synchronous>, transform_indices = @transform_3, window_bounds = array<i64: 1, 768>}, {pipeline_mode = #tpu.pipeline_mode<synchronous>, transform_indices = @transform_4, window_bounds = array<i64: 1, 768>}, {transform_indices = @transform_5, window_bounds = array<i64: 2048, 768>}]} {
    %get3A = arith.constant 0 : index
    %get3A_0 = arith.constant 0 : index
    %get3A_1 = arith.constant 0 : index
    %get3A_2 = vector.load %arg3[%get3A, %get3A_0, %get3A_1] : memref<2x1x1024xf32, #tpu.memory_space<vmem>>, vector<1x1x1024xf32>
    %get3A_3 = vector.shape_cast %get3A_2 : vector<1x1x1024xf32> to vector<1x1024xf32>
    %reshape3A = vector.shape_cast %get3A_3 : vector<1x1024xf32> to vector<1024x1xf32>
    %get3A_4 = arith.constant 1 : index
    %get3A_5 = arith.constant 0 : index
    %get3A_6 = arith.constant 0 : index
    %get3A_7 = vector.load %arg3[%get3A_4, %get3A_5, %get3A_6] : memref<2x1x1024xf32, #tpu.memory_space<vmem>>, vector<1x1x1024xf32>
    %get3A_8 = vector.shape_cast %get3A_7 : vector<1x1x1024xf32> to vector<1x1024xf32>
    %reshape3A_9 = vector.shape_cast %get3A_8 : vector<1x1024xf32> to vector<1024x1xf32>
    %concatenate3A = tpu.concatenate %reshape3A, %reshape3A_9 in 0 : vector<1024x1xf32>, vector<1024x1xf32> -> vector<2048x1xf32>
    %gt3A = arith.constant 0.000000e+00 : f32
    %gt3A_10 = vector.broadcast %gt3A : f32 to vector<2048x1xf32>
    %gt3A_11 = arith.cmpf ogt, %concatenate3A, %gt3A_10 : vector<2048x1xf32>
    %get3A_12 = arith.constant 0 : index
    %get3A_13 = arith.constant 0 : index
    %get3A_14 = vector.load %arg1[%get3A_12, %get3A_13] : memref<2048x768xf32, #tpu.memory_space<vmem>>, vector<2048x768xf32>
    %mul3A = vector.broadcast %concatenate3A : vector<2048x1xf32> to vector<2048x768xf32>
    %mul3A_15 = arith.mulf %get3A_14, %mul3A : vector<2048x768xf32>
    %jit3A = arith.constant 0.000000e+00 : f32
    %broadcast_in_dim3A = vector.shape_cast %gt3A_11 : vector<2048x1xi1> to vector<2048x1xi1>
    %broadcast_in_dim3A_16 = vector.broadcast %broadcast_in_dim3A : vector<2048x1xi1> to vector<2048x768xi1>
    %broadcast_in_dim3A_17 = vector.broadcast %jit3A : f32 to vector<2048x768xf32>
    %select_n3A = arith.select %broadcast_in_dim3A_16, %mul3A_15, %broadcast_in_dim3A_17 : vector<2048x768xi1>, vector<2048x768xf32>
    %get3A_18 = arith.constant 0 : index
    %get3A_19 = arith.constant 0 : index
    %get3A_20 = vector.load %arg2[%get3A_18, %get3A_19] : memref<2048x768xf32, #tpu.memory_space<vmem>>, vector<2048x768xf32>
    %add3A = arith.addf %select_n3A, %get3A_20 : vector<2048x768xf32>
    %reduce_sum3A = arith.constant dense<0.000000e+00> : vector<2048xf32>
    %reduce_sum3A_21 = vector.multi_reduction <add>, %add3A, %reduce_sum3A [1] : vector<2048x768xf32> to vector<2048xf32>
    %broadcast_in_dim3A_22 = vector.shape_cast %reduce_sum3A_21 : vector<2048xf32> to vector<2048x1xf32>
    %div3A = arith.constant 7.680000e+02 : f32
    %div3A_23 = vector.broadcast %div3A : f32 to vector<2048x1xf32>
    %div3A_24 = arith.divf %broadcast_in_dim3A_22, %div3A_23 : vector<2048x1xf32>
    %sub3A = vector.broadcast %div3A_24 : vector<2048x1xf32> to vector<2048x768xf32>
    %sub3A_25 = arith.subf %add3A, %sub3A : vector<2048x768xf32>
    %mul3A_26 = arith.mulf %sub3A_25, %sub3A_25 : vector<2048x768xf32>
    %reduce_sum3A_27 = arith.constant dense<0.000000e+00> : vector<2048xf32>
    %reduce_sum3A_28 = vector.multi_reduction <add>, %mul3A_26, %reduce_sum3A_27 [1] : vector<2048x768xf32> to vector<2048xf32>
    %broadcast_in_dim3A_29 = vector.shape_cast %reduce_sum3A_28 : vector<2048xf32> to vector<2048x1xf32>
    %div3A_30 = arith.constant 7.680000e+02 : f32
    %div3A_31 = vector.broadcast %div3A_30 : f32 to vector<2048x1xf32>
    %div3A_32 = arith.divf %broadcast_in_dim3A_29, %div3A_31 : vector<2048x1xf32>
    %add3A_33 = arith.constant 9.99999974E-6 : f32
    %add3A_34 = vector.broadcast %add3A_33 : f32 to vector<2048x1xf32>
    %add3A_35 = arith.addf %div3A_32, %add3A_34 : vector<2048x1xf32>
    %rsqrt3A = math.rsqrt %add3A_35 : vector<2048x1xf32>
    %mul3A_36 = vector.broadcast %rsqrt3A : vector<2048x1xf32> to vector<2048x768xf32>
    %mul3A_37 = arith.mulf %sub3A_25, %mul3A_36 : vector<2048x768xf32>
    %get3A_38 = arith.constant 0 : index
    %get3A_39 = arith.constant 0 : index
    %get3A_40 = vector.load %arg4[%get3A_38, %get3A_39] : memref<1x768xf32, #tpu.memory_space<vmem>>, vector<1x768xf32>
    %mul3A_41 = vector.broadcast %get3A_40 : vector<1x768xf32> to vector<2048x768xf32>
    %mul3A_42 = arith.mulf %mul3A_37, %mul3A_41 : vector<2048x768xf32>
    %get3A_43 = arith.constant 0 : index
    %get3A_44 = arith.constant 0 : index
    %get3A_45 = vector.load %arg5[%get3A_43, %get3A_44] : memref<1x768xf32, #tpu.memory_space<vmem>>, vector<1x768xf32>
    %add3A_46 = vector.broadcast %get3A_45 : vector<1x768xf32> to vector<2048x768xf32>
    %add3A_47 = arith.addf %mul3A_42, %add3A_46 : vector<2048x768xf32>
    %swap3A = arith.constant 0 : index
    %swap3A_48 = arith.constant 0 : index
    %swap3A_49 = vector.load %arg6[%swap3A, %swap3A_48] : memref<2048x768xf32, #tpu.memory_space<vmem>>, vector<2048x768xf32>
    tpu.vector_store %arg6[%swap3A, %swap3A_48], %add3A_47 {strides = array<i32>} : memref<2048x768xf32, #tpu.memory_space<vmem>>, vector<2048x768xf32>,
    return
  }
  func.func @transform_0(%arg0: i32) -> (i32, i32) {
    %c0_i32 = arith.constant 0 : i32
    %c0_i32_0 = arith.constant 0 : i32
    return %arg0, %c0_i32 : i32, i32
  }
  func.func @transform_1(%arg0: i32) -> (i32, i32) {
    %add3A = arith.constant 0 : i32
    %add3A_0 = arith.addi %arg0, %add3A : i32
    %c0_i32 = arith.constant 0 : i32
    %c0_i32_1 = arith.constant 0 : i32
    return %add3A_0, %c0_i32 : i32, i32
  }
  func.func @transform_2(%arg0: i32) -> (i32, i32, i32) {
    %add3A = arith.constant 0 : i32
    %add3A_0 = arith.addi %arg0, %add3A : i32
    %c0_i32 = arith.constant 0 : i32
    %c0_i32_1 = arith.constant 0 : i32
    %c0_i32_2 = arith.constant 0 : i32
    return %add3A_0, %c0_i32, %c0_i32_1 : i32, i32, i32
  }
  func.func @transform_3(%arg0: i32) -> (i32, i32) {
    %c0_i32 = arith.constant 0 : i32
    %c0_i32_0 = arith.constant 0 : i32
    %c0_i32_1 = arith.constant 0 : i32
    return %c0_i32, %c0_i32_0 : i32, i32
  }
  func.func @transform_4(%arg0: i32) -> (i32, i32) {
    %c0_i32 = arith.constant 0 : i32
    %c0_i32_0 = arith.constant 0 : i32
    %c0_i32_1 = arith.constant 0 : i32
    return %c0_i32, %c0_i32_0 : i32, i32
  }
  func.func @transform_5(%arg0: i32) -> (i32, i32) {
    %add3A = arith.constant 0 : i32
    %add3A_0 = arith.addi %arg0, %add3A : i32
    %c0_i32 = arith.constant 0 : i32
    %c0_i32_1 = arith.constant 0 : i32
    return %add3A_0, %c0_i32 : i32, i32
  }
}

</mosaic_0001>

<sc_bundles>
// kernel: kernel.12.cloned.1.call-start
scs
__scs_entry_jumppad:
0x0: {  	(pc) =	sbr.rel $0x88, $3  }
0x1: {  	(tag) =	ssettag $0x0;
	lr =	simm.s32 $0x1  }
0x2: {  	[smem:$0x3F99] =	sst lr;
	_ =	strace $0xD0000000  }
0x3: {  	_ = 	snop  }
0x4: {  	_ = 	snop  }
0x5: {  	_ = 	snop  }
0x6: {  	_ = 	snop  }
0x7: {  	_ = 	snop  }
__scs_overlays_trampoline_lowered:
0x8: {  	[smem:$0x3FA8] =	sst s0  }
0x9: {  	[smem:$0x3FA9] =	sst s1  }
0xa: {  	[smem:$0x3FAA] =	sst s2  }
0xb: {  	[smem:$0x3FAB] =	sst s3  }
0xc: {  	[smem:$0x3FAC] =	sst s4  }
0xd: {  	[smem:$0x3FAD] =	sst s5  }
0xe: {  	[smem:$0x3FAE] =	sst s6  }
0xf: {  	[smem:$0x3FAF] =	sst s7  }
0x10: {  	[smem:$0x3FB0] =	sst s8  }
0x11: {  	[smem:$0x3FB1] =	sst s9;
	s0 =	simm.s32 @!p0 $0x0  }
0x12: {  	s1 =	sld [smem:$0x3F97];
	s0 =	simm.s32 @p0 $0x1  }
0x13: {  	[smem:$0x3FB2] =	sst s0;
	s0 =	simm.s32 @!p1 $0x0  }
0x14: {  	s2 =	sld [smem:$0x3F96];
	s0 =	simm.s32 @p1 $0x1  }
0x15: {  	[smem:$0x3FB3] =	sst s0;
	s0 =	simm.s32 @!p2 $0x0  }
0x16: {  	s3 =	sld [smem:$0x3FDB];
	s0 =	simm.s32 @p2 $0x1  }
0x17: {  	s4 =	simm.s32 $0x1BF5;
	[smem:$0x3FB5] =	sst s0  }
0x18: {  	s0 =	sld [smem:$0x3F98];
	_ =	swait.ge [sflag:s4], $0x0  }
0x19: {  	s7 =	sld [smem:$0x3F99]  }
0x1a: {  	s8 =	sadd.s32 $0xFFFFE003, lr  }
0x1b: {  	s9 =	sadd.s32 $0xFFFFFEF7, lr;
	s5 =	simm.s32 $0xFFFFFFFF;
	p2 =	slt.u32 s8, $0xFFFFF086  }
0x1c: {  	p1 =	slt.u32 s9, $0xF7A;
	s5 =	simm.s32 @!p2 $0x0  }
0x1d: {  	s5 =	simm.s32 @p1 $0x1;
	p0 =	seq.s32 s7, s2  }
0x1e: {  	s7 =	smul.u32 @!p0 $0xF7A, s2;
	p2 =	seq.s32 @!p0 s5, $0x0  }
0x1f: {  	s9 =	smul.u32 $0xF7A, s1;
	s8 =	simm.s32 @!p0 $0x1BF5;
	p2 =	por !p2, p0  }
0x20: {  	[sflag:s8] =	ssyncset.s32 @!p0 $0xFFFFF086;
	s6 =	sadd.s32 @!p0 s3, s7;
	s7 =	simm.s32 @!p0 $0x108  }
0x21: {  	s3 =	sadd.s32 s3, s9;
	s6 =	sadd.s32 @!p0 $0x88, s6;
	s7 =	simm.s32 @p2 $0x1082  }
0x22: {  	[simem:s7], [sflag:s8] =	dma.local @!p0 [hbm:s6], $0xF7A  }
0x23: {  	s9 =	sor.u32 $0xD0000000, s2;
	s6 =	simm.s32 $0x108;
	_ =	swait.ge @!p0 [sflag:s8], $0x0  }
0x24: {  	s3 =	sadd.s32 $0x88, s3;
	s6 =	simm.s32 @!p1 $0x1082;
	[sflag:s4] =	ssyncset.s32 $0xFFFFF086  }
0x25: {  	[simem:s6], [sflag:s4] =	dma.local [hbm:s3], $0xF7A  }
0x26: {  	[smem:$0x3F99] =	sst s1;
	(tag) =	ssettag s2;
	_ =	strace s9  }
0x27: {  	s1 =	sld [smem:$0x3FA9]  }
0x28: {  	s2 =	sld [smem:$0x3FAA]  }
0x29: {  	s4 =	sld [smem:$0x3FAC]  }
0x2a: {  	p0 =	seq.s32 s5, $0x0;
	s5 =	sld [smem:$0x3FAD]  }
0x2b: {  	s6 =	sld [smem:$0x3FAE]  }
0x2c: {  	s7 =	sld [smem:$0x3FAF]  }
0x2d: {  	s3 =	simm.s32 $0x108;
	s8 =	sld [smem:$0x3FB0]  }
0x2e: {  	s3 =	simm.s32 @!p0 $0x1082;
	s9 =	sld [smem:$0x3FB1]  }
0x2f: {  	lr =	sadd.s32 s0, s3;
	s0 =	sld [smem:$0x3FA8]  }
0x30: {  	s3 =	sld [smem:$0x3FAB]  }
0x31: {  	[smem:$0x3FB4] =	sst s10  }
0x32: {  	s10 =	sld [smem:$0x3FB2];
	_ =	sdelay $0x3  }
0x33: {  	p0 =	seq.s32 s10, $0x1;
	s10 =	sld [smem:$0x3FB4];
	_ =	sdelay $0x3  }
0x34: {  	[smem:$0x3FB4] =	sst s10  }
0x35: {  	s10 =	sld [smem:$0x3FB3];
	_ =	sdelay $0x3  }
0x36: {  	p1 =	seq.s32 s10, $0x1;
	s10 =	sld [smem:$0x3FB4];
	_ =	sdelay $0x3  }
0x37: {  	[smem:$0x3FB4] =	sst s10  }
0x38: {  	s10 =	sld [smem:$0x3FB5]  }
0x39: {  	_ = 	snop;
	(pc) =	sbr.ind lr, $3  }
0x3a: {  	_ = 	snop  }
0x3b: {  	_ = 	snop  }
0x3c: {  	p2 =	seq.s32 s10, $0x1;
	s10 =	sld [smem:$0x3FB4]  }
0x3d: {  	_ =	shalt  }
0x3e: {  	_ =	shalt  }
0x3f: {  	_ =	shalt  }
0x40: {  	_ =	shalt  }
0x41: {  	_ =	shalt  }
0x42: {  	_ =	shalt  }
0x43: {  	_ =	shalt  }
0x44: {  	_ =	shalt  }
0x45: {  	_ =	shalt  }
0x46: {  	_ =	shalt  }
0x47: {  	_ =	shalt  }
0x48: {  	_ =	shalt  }
0x49: {  	_ =	shalt  }
0x4a: {  	_ =	shalt  }
0x4b: {  	_ =	shalt  }
0x4c: {  	_ =	shalt  }
0x4d: {  	_ =	shalt  }
0x4e: {  	_ =	shalt  }
0x4f: {  	_ =	shalt  }
0x50: {  	_ =	shalt  }
0x51: {  	_ =	shalt  }
0x52: {  	_ =	shalt  }
0x53: {  	_ =	shalt  }
0x54: {  	_ =	shalt  }
0x55: {  	_ =	shalt  }
0x56: {  	_ =	shalt  }
0x57: {  	_ =	shalt  }
0x58: {  	_ =	shalt  }
0x59: {  	_ =	shalt  }
0x5a: {  	_ =	shalt  }
0x5b: {  	_ =	shalt  }
0x5c: {  	_ =	shalt  }
0x5d: {  	_ =	shalt  }
0x5e: {  	_ =	shalt  }
0x5f: {  	_ =	shalt  }
0x60: {  	_ =	shalt  }
0x61: {  	_ =	shalt  }
0x62: {  	_ =	shalt  }
0x63: {  	_ =	shalt  }
0x64: {  	_ =	shalt  }
0x65: {  	_ =	shalt  }
0x66: {  	_ =	shalt  }
0x67: {  	_ =	shalt  }
0x68: {  	_ =	shalt  }
0x69: {  	_ =	shalt  }
0x6a: {  	_ =	shalt  }
0x6b: {  	_ =	shalt  }
0x6c: {  	_ =	shalt  }
0x6d: {  	_ =	shalt  }
0x6e: {  	_ =	shalt  }
0x6f: {  	_ =	shalt  }
0x70: {  	_ =	shalt  }
0x71: {  	_ =	shalt  }
0x72: {  	_ =	shalt  }
0x73: {  	_ =	shalt  }
0x74: {  	_ =	shalt  }
0x75: {  	_ =	shalt  }
0x76: {  	_ =	shalt  }
0x77: {  	_ =	shalt  }
0x78: {  	_ =	shalt  }
0x79: {  	_ =	shalt  }
0x7a: {  	_ =	shalt  }
0x7b: {  	_ =	shalt  }
0x7c: {  	_ =	shalt  }
0x7d: {  	_ =	shalt  }
0x7e: {  	_ =	shalt  }
0x7f: {  	_ =	shalt  }
0x80: {  	_ =	shalt  }
0x81: {  	_ =	shalt  }
0x82: {  	_ =	shalt  }
0x83: {  	_ =	shalt  }
0x84: {  	_ =	shalt  }
0x85: {  	_ =	shalt  }
0x86: {  	_ =	shalt  }
0x87: {  	_ =	shalt  }
.Lfunc_end0:
.L_simem_size_0:
called_computation.1_lowered:
.L_overlay_start_0:
0x88: {  	s2 =	sld [smem:$0x3FD9]  }
0x89: {  	s3 =	sld [smem:$0x3FFE];
	_ =	sdelay $0x1  }
0x8a: {  	s1 =	srdreg.scid  }
0x8b: {  	s0 =	sand.u32 $0x1, s1  }
0x8c: {  	s14 =	sshll.u32 s0, $0xA;
	s2 =	sadd.s32 s3, s2  }
0x8d: {  	s2 =	sadd.s32 s2, s14  }
0x8e: {  	[smem:$0x3FC0] =	sst s2  }
0x8f: {  	_ = 	snop  }
0x90: {  	s2 =	sld [smem:$0x3FD0];
	_ =	sdelay $0x2  }
0x91: {  	s15 =	simm.s32 $0xB;
	s4 =	simm.s32 $0x10  }
0x92: {  	[smem:s4], [sflag:s15] =	dma.local [hbm:s2], $0x1  }
0x93: {  	_ =	swait.eq [sflag:s15], $0x1  }
0x94: {  	[sflag:s15] =	ssyncset.done $0x0  }
0x95: {  	[sflag:s15] =	ssyncadd.s32 $0xFFFFFFFF  }
0x96: {  	s16 =	sld [smem:$0x10];
	(tm) =	ssettm $0x1  }
0x97: {  	s17 =	sld [smem:$0x3FFB];
	_ =	sdelay $0x3  }
0x98: {  	_ =	strace s17  }
0x99: {  	s3 =	sld [smem:$0x3FFC];
	_ =	sdelay $0x3  }
0x9a: {  	_ =	strace s3  }
0x9b: {  	s3 =	sld [smem:$0x3FFD];
	_ =	sdelay $0x3  }
0x9c: {  	_ =	strace s3  }
0x9d: {  	_ =	strace $0x8FFFFFFF  }
0x9e: {  	s18 =	sld [smem:$0x3FDB];
	_ =	sdelay $0x1  }
0x9f: {  	s19 =	simm.s32 $_scs_section_size  }
0xa0: {  	s5 =	simm.s32 $_size__tile_overlayer_lowered;
	s6 =	simm.s32 $_tile_overlayer_lowered  }
0xa1: {  	s22 =	simm.s32 $0x1BFF;
	s21 =	sshll.u32 s6, $0x1;
	s3 =	sadd.s32 s19, s18  }
0xa2: {  	s7 =	simm.s32 $0x0;
	s20 =	sshll.u32 s5, $0x1;
	s5 =	sadd.s32 s21, s3  }
0xa3: {  	[timem:s7], [sflag:s22] =	dma.local [hbm:s5], s20  }
0xa4: {  	_ =	swait.ge [sflag:s22], s20  }
0xa5: {  	s4 =	ssub.s32 $0x0, s20;
	[sflag:s22] =	ssyncset.done $0x0  }
0xa6: {  	[sflag:s22] =	ssyncadd.s32 s4;
	_ =	sdelay $0x1  }
0xa7: {  	s23 =	simm.s32 $0x1B8B  }
0xa8: {  	_ =	swait.ge [sflag:s23], $0x1  }
0xa9: {  	[sflag:s23] =	ssyncset.done $0x0  }
0xaa: {  	s25 =	simm.s32 $0x1B8E;
	s24 =	sld [smem:$0x3FFE];
	[sflag:s23] =	ssyncadd.s32 $0xFFFFFFFF  }
0xab: {  	s26 =	simm.s32 $execute0_lowered;
	[smem:$0x3FD2] =	sst s25  }
0xac: {  	s5 =	sshll.u32 s26, $0x1;
	_ =	strace $0x80000049;
	[dreg:$0x1] =	wrdreg $0xFFFFFFFF  }
0xad: {  	s28 =	simm.s32 $_size_execute0_lowered;
	s3 =	sadd.s32 s3, s5;
	[dreg:$0x0] =	wrdreg $0x0  }
0xae: {  	s5 =	sshll.u32 s28, $0x1;
	[dreg:$0x2] =	wrdreg s3  }
0xaf: {  	[dreg:$0x3] =	wrdreg s5  }
0xb0: {  	[dreg:$0x4] =	wrdreg $0xC0  }
0xb1: {  	_ =	task [dreg:s7], $0x5FFFF  }
0xb2: {  	[dreg:$0x1] =	wrdreg $0xFFFFFFFF  }
0xb3: {  	[dreg:$0x0] =	wrdreg $0x60  }
0xb4: {  	[dreg:$0x2] =	wrdreg s24  }
0xb5: {  	[dreg:$0x3] =	wrdreg s16  }
0xb6: {  	[dreg:$0x4] =	wrdreg $0x9  }
0xb7: {  	_ =	task.clear_ibuf [dreg:s7], $0x5FFFF;
	_ =	strace $0x90000049  }
0xb8: {  	s29 =	simm.s32 $0x9;
	_ =	strace $0x8000004B  }
0xb9: {  	_ =	swait.ge [sflag:s29], $0x1  }
0xba: {  	[sflag:s29] =	ssyncadd.s32 $0xFFFFFFFF  }
0xbb: {  	_ =	strace $0x9000004B  }
0xbc: {  	_ =	sfence  }
0xbd: {  	s30 =	sld [smem:$0x0];
	_ =	sdelay $0x2  }
0xbe: {  	s31 =	sshll.u32 s1, $0xD;
	s1 =	sshrl.u32 s1, $0x2  }
0xbf: {  	s3 =	sand.u32 $0x4000, s31;
	s1 =	sadd.s32 s1, s30  }
0xc0: {  	s0 =	sor.u32 s3, s0;
	s1 =	sshll.u32 s1, $0x11  }
0xc1: {  	s0 =	sor.u32 s1, s0  }
0xc2: {  	s0 =	sadd.s32 $0x8F2B, s0  }
0xc3: {  	[sflag:s0] =	ssyncadd.remote.s32 $0x1  }
0xc4: {  	_ =	sfence.sel $0xFFFF  }
0xc5: {  	[dreg:$0x0] =	wrdreg $0xFFFFFFFF;
	(pc) =	sbr.abs _section_cstart, $3  }
0xc6: {  	[dreg:$0x1] =	wrdreg $0xFFFFFFFF  }
0xc7: {  	_ =	task.clear_ibuf [dreg:s7], $0x2FFFF;
	_ =	strace $0x9FFFFFFF  }
0xc8: {  	(tm) =	ssettm $0x7FFFFFFF  }
0xc9: {  	_ =	shalt  }
tec
execute0_lowered:
.L_overlay_start_1:
0x0: {  	(tag) =	ssettag $0x1  }
0x1: {  	s1 =	rddreg [dreg:$0x0];
	s2 =	srdreg.scid  }
0x2: {  	s3 =	rddreg [dreg:$0x1];
	s4 =	sand.u32 $0x1, s2;
	s2 =	simm.s32 $0x0  }
0x3: {  	s21 =	simm.s32 $0x900;
	[smem:$0x7FF] =	sst s2  }
0x4: {  	s22 =	simm.s32 $0x1100;
	_ =	strace $0x8000004A;
	[dreg:$0x6] =	wrdreg s21  }
0x5: {  	s23 =	simm.s32 $0x1900;
	[dreg:$0x7] =	wrdreg s22  }
0x6: {  	s24 =	simm.s32 $0x2100;
	[dreg:$0x8] =	wrdreg s23  }
0x7: {  	s25 =	simm.s32 $0x2900;
	[dreg:$0x9] =	wrdreg s24  }
0x8: {  	s0 =	stileid.u32;
	s26 =	simm.s32 $0x3100;
	[dreg:$0xa] =	wrdreg s25  }
0x9: {  	s20 =	sshll.u32 s0, $0x1;
	s0 =	simm.s32 $0x3900;
	[dreg:$0xb] =	wrdreg s26  }
0xa: {  	s8 =	simm.s32 $0x5900;
	[dreg:$0xc] =	wrdreg s0  }
0xb: {  	s9 =	simm.s32 $0x6100;
	[dreg:$0x10] =	wrdreg s8  }
0xc: {  	s10 =	simm.s32 $0x6900;
	[dreg:$0x11] =	wrdreg s9  }
0xd: {  	s11 =	simm.s32 $0x7100;
	s12 =	simm.s32 $0x7900;
	[dreg:$0x12] =	wrdreg s10  }
0xe: {  	s13 =	simm.s32 $0x8100;
	s14 =	simm.s32 $0x8900;
	[dreg:$0x13] =	wrdreg s11  }
0xf: {  	s15 =	simm.s32 $0x9100;
	s16 =	simm.s32 $0x9900;
	[dreg:$0x14] =	wrdreg s12  }
0x10: {  	s17 =	simm.s32 $0xA100;
	s18 =	simm.s32 $0xA900;
	[dreg:$0x15] =	wrdreg s13  }
0x11: {  	s28 =	simm.s32 $0x17100;
	s29 =	simm.s32 $0x17900;
	[dreg:$0x16] =	wrdreg s14  }
0x12: {  	s30 =	simm.s32 $0x2;
	s31 =	simm.s32 $0x3;
	[dreg:$0x17] =	wrdreg s15  }
0x13: {  	s5 =	sor.u32 s4, s20;
	s4 =	ssub.s32 $0x2, s4;
	[dreg:$0x18] =	wrdreg s16  }
0x14: {  	s20 =	simm.s32 $0xB100;
	s7 =	smul.u32 $0x18000, s5;
	[dreg:$0x19] =	wrdreg s17  }
0x15: {  	s6 =	sshll.u32 s5, $0x5;
	s5 =	smul.u32 $0x3000, s5;
	[dreg:$0x1a] =	wrdreg s18  }
0x16: {  	s19 =	sshrl.u32 s4, $0x1;
	[dreg:$0x1b] =	wrdreg s20;
	s21 =	simm.s32 $0xB900  }
0x17: {  	s22 =	simm.s32 $0xC900;
	s23 =	simm.s32 $0xD100;
	s24 =	simm.s32 $0xD900  }
0x18: {  	s25 =	simm.s32 $0xE100;
	s8 =	simm.s32 $0x100;
	s26 =	simm.s32 $0xE900  }
0x19: {  	s9 =	simm.s32 $0x1;
	s10 =	simm.s32 $0xC100;
	[dreg:$0x1c] =	wrdreg s21  }
0x1a: {  	s12 =	simm.s32 $0xF900;
	s13 =	simm.s32 $0x10100;
	[dreg:$0x1d] =	wrdreg s22  }
0x1b: {  	s14 =	simm.s32 $0x10900;
	s15 =	simm.s32 $0x11100;
	[dreg:$0x1e] =	wrdreg s23  }
0x1c: {  	s16 =	simm.s32 $0x11900;
	s17 =	simm.s32 $0x12100;
	[dreg:$0x1f] =	wrdreg s24  }
0x1d: {  	s18 =	simm.s32 $0x12900;
	s20 =	simm.s32 $0x13900;
	[smem:$0x7FC] =	sst s25  }
0x1e: {  	s6 =	sadd.s32 s6, s1;
	[smem:$0x7FD] =	sst s26;
	s21 =	simm.s32 $0x14100  }
0x1f: {  	s22 =	simm.s32 $0x14900;
	s23 =	simm.s32 $0x15100;
	s6 =	sadd.s32 $0x181C00, s6  }
0x20: {  	s24 =	simm.s32 $0x15900;
	s5 =	sadd.s32 s3, s5;
	[dreg:$0x3] =	wrdreg s6  }
0x21: {  	s25 =	simm.s32 $0x16100;
	[dreg:$0x4] =	wrdreg s5;
	s5 =	simm.s32 $0x4100  }
0x22: {  	s7 =	sshrl.u32 s7, $0x3;
	s6 =	simm.s32 $0x4900;
	[dreg:$0xd] =	wrdreg s5  }
0x23: {  	s3 =	sadd.s32 s3, s7;
	s7 =	simm.s32 $0x5100;
	[dreg:$0xe] =	wrdreg s6  }
0x24: {  	s26 =	simm.s32 $0x16900;
	s3 =	sadd.s32 $0x1800, s3;
	[dreg:$0xf] =	wrdreg s7  }
0x25: {  	v2 =	vlaneseq.u32;
	s6 =	ssub.s32 s4, s19;
	s4 =	sadd.s32 $0x182500, s1;
	s5 =	sadd.s32 $0x182600, s1  }
0x26: {  	vm0 =	vmmov $0xffff;
	v1 =	vshrl.u32 v2, $0x3;
	s7 =	simm.s32 $0x5;
	s19 =	simm.s32 $0x13100;
	[dreg:$0x5] =	wrdreg s3  }
0x27: {  	v0 =	vand.u32 $0x7, v2;
	v2 =	vor.u32 $0x8, v2;
	v1 =	vmul.u32 $0x8, v1;
	s3 =	sadd.s32 $0x182400, s1;
	s6 =	smax.u32 s6, $0x1;
	s1 =	simm.s32 $0x4  }
.LBB2_1:
0x28: {  	s0 =	rddreg [dreg:$0x3]  }
0x29: {  	[tilespmem:s2], [sflag:$0x5] =	stream.linear.gather [hbm4b:s0+s2], $0x100, $0x38;
	[tilespmem:$0x18100] =	vst v63  }
0x2a: {  	_ =	swait.ge [sflag:s7], $0x100  }
0x2b: {  	[sflag:s7] =	ssyncset.done $0x0  }
0x2c: {  	[sflag:s7] =	ssyncadd.s32 $0xFFFFFF00  }
0x2d: {  	v3 =	vld [tilespmem:$0x0];
	_ =	sdelay $0x4  }
0x2e: {  	v4 =	vshrl.u32 v3, $0x3  }
0x2f: {  	v4 =	vmul.u32 $0x30, v4  }
0x30: {  	v3 =	vand.u32 $0x7, v3  }
0x31: {  	v3 =	vor.u32 v3, v4  }
0x32: {  	v4 =	vperm.xlane v3, v0;
	_ =	sdelay $0x1  }
0x33: {  	v4 =	vadd.s32 v1, v4;
	_ =	sdelay $0x3  }
0x34: {  	v3 =	vperm.xlane v3, v2  }
0x35: {  	[tilespmem:s8], [sflag:$0x1] =	stream.indirect_vreg.gather [hbm4b:s3+s2], $0x80, v4, vm0, $0xb8;
	[tilespmem:$0x18100] =	vst v63  }
0x36: {  	s0 =	rddreg [dreg:$0x6];
	v3 =	vadd.s32 v1, v3  }
0x37: {  	[tilespmem:s0], [sflag:$0x1] =	stream.indirect_vreg.gather [hbm4b:s4+s2], $0x80, v4, vm0, $0xb8;
	[tilespmem:$0x18100] =	vst v63  }
0x38: {  	s11 =	rddreg [dreg:$0x7]  }
0x39: {  	[tilespmem:s11], [sflag:$0x1] =	stream.indirect_vreg.gather [hbm4b:s5+s2], $0x80, v4, vm0, $0xb8;
	[tilespmem:$0x18100] =	vst v63  }
0x3a: {  	s0 =	rddreg [dreg:$0x8]  }
0x3b: {  	[tilespmem:s0], [sflag:$0x1] =	stream.indirect_vreg.gather [hbm4b:s3+s2], $0x80, v3, vm0, $0xb8;
	[tilespmem:$0x18100] =	vst v63  }
0x3c: {  	s11 =	rddreg [dreg:$0x9]  }
0x3d: {  	[tilespmem:s11], [sflag:$0x1] =	stream.indirect_vreg.gather [hbm4b:s4+s2], $0x80, v3, vm0, $0xb8;
	[tilespmem:$0x18100] =	vst v63  }
0x3e: {  	s0 =	rddreg [dreg:$0xa]  }
0x3f: {  	[tilespmem:s0], [sflag:$0x1] =	stream.indirect_vreg.gather [hbm4b:s5+s2], $0x80, v3, vm0, $0xb8;
	[tilespmem:$0x18100] =	vst v63  }
0x40: {  	v3 =	vld [tilespmem:$0x10];
	_ =	sdelay $0x4  }
0x41: {  	v57 =	vshrl.u32 v3, $0x3  }
0x42: {  	v4 =	vmul.u32 $0x30, v57  }
0x43: {  	v3 =	vand.u32 $0x7, v3  }
0x44: {  	v3 =	vor.u32 v3, v4  }
0x45: {  	v4 =	vperm.xlane v3, v0;
	_ =	sdelay $0x1  }
0x46: {  	v4 =	vadd.s32 v1, v4;
	_ =	sdelay $0x3  }
0x47: {  	s0 =	rddreg [dreg:$0xb];
	v3 =	vperm.xlane v3, v2  }
0x48: {  	[tilespmem:s0], [sflag:$0x1] =	stream.indirect_vreg.gather [hbm4b:s3+s2], $0x80, v4, vm0, $0xb8;
	[tilespmem:$0x18100] =	vst v63  }
0x49: {  	s11 =	rddreg [dreg:$0xc];
	v3 =	vadd.s32 v1, v3  }
0x4a: {  	[tilespmem:s11], [sflag:$0x1] =	stream.indirect_vreg.gather [hbm4b:s4+s2], $0x80, v4, vm0, $0xb8;
	[tilespmem:$0x18100] =	vst v63  }
0x4b: {  	s0 =	rddreg [dreg:$0xd]  }
0x4c: {  	[tilespmem:s0], [sflag:$0x1] =	stream.indirect_vreg.gather [hbm4b:s5+s2], $0x80, v4, vm0, $0xb8;
	[tilespmem:$0x18100] =	vst v63  }
0x4d: {  	s11 =	rddreg [dreg:$0xe]  }
0x4e: {  	[tilespmem:s11], [sflag:$0x1] =	stream.indirect_vreg.gather [hbm4b:s3+s2], $0x80, v3, vm0, $0xb8;
	[tilespmem:$0x18100] =	vst v63  }
0x4f: {  	s0 =	rddreg [dreg:$0xf]  }
0x50: {  	[tilespmem:s0], [sflag:$0x1] =	stream.indirect_vreg.gather [hbm4b:s4+s2], $0x80, v3, vm0, $0xb8;
	[tilespmem:$0x18100] =	vst v63  }
0x51: {  	s11 =	rddreg [dreg:$0x10]  }
0x52: {  	[tilespmem:s11], [sflag:$0x1] =	stream.indirect_vreg.gather [hbm4b:s5+s2], $0x80, v3, vm0, $0xb8;
	[tilespmem:$0x18100] =	vst v63  }
0x53: {  	v3 =	vld [tilespmem:$0x20];
	_ =	sdelay $0x4  }
0x54: {  	v58 =	vshrl.u32 v3, $0x3  }
0x55: {  	v4 =	vmul.u32 $0x30, v58  }
0x56: {  	v3 =	vand.u32 $0x7, v3  }
0x57: {  	v3 =	vor.u32 v3, v4  }
0x58: {  	v4 =	vperm.xlane v3, v0;
	_ =	sdelay $0x1  }
0x59: {  	v4 =	vadd.s32 v1, v4;
	_ =	sdelay $0x3  }
0x5a: {  	s0 =	rddreg [dreg:$0x11];
	v3 =	vperm.xlane v3, v2  }
0x5b: {  	[tilespmem:s0], [sflag:$0x1] =	stream.indirect_vreg.gather [hbm4b:s3+s2], $0x80, v4, vm0, $0xb8;
	[tilespmem:$0x18100] =	vst v63  }
0x5c: {  	s11 =	rddreg [dreg:$0x12];
	v3 =	vadd.s32 v1, v3  }
0x5d: {  	[tilespmem:s11], [sflag:$0x1] =	stream.indirect_vreg.gather [hbm4b:s4+s2], $0x80, v4, vm0, $0xb8;
	[tilespmem:$0x18100] =	vst v63  }
0x5e: {  	s0 =	rddreg [dreg:$0x13]  }
0x5f: {  	[tilespmem:s0], [sflag:$0x1] =	stream.indirect_vreg.gather [hbm4b:s5+s2], $0x80, v4, vm0, $0xb8;
	[tilespmem:$0x18100] =	vst v63  }
0x60: {  	s11 =	rddreg [dreg:$0x14]  }
0x61: {  	[tilespmem:s11], [sflag:$0x1] =	stream.indirect_vreg.gather [hbm4b:s3+s2], $0x80, v3, vm0, $0xb8;
	[tilespmem:$0x18100] =	vst v63  }
0x62: {  	s0 =	rddreg [dreg:$0x15]  }
0x63: {  	[tilespmem:s0], [sflag:$0x1] =	stream.indirect_vreg.gather [hbm4b:s4+s2], $0x80, v3, vm0, $0xb8;
	[tilespmem:$0x18100] =	vst v63  }
0x64: {  	s11 =	rddreg [dreg:$0x16]  }
0x65: {  	[tilespmem:s11], [sflag:$0x1] =	stream.indirect_vreg.gather [hbm4b:s5+s2], $0x80, v3, vm0, $0xb8;
	[tilespmem:$0x18100] =	vst v63  }
0x66: {  	v3 =	vld [tilespmem:$0x30];
	_ =	sdelay $0x4  }
0x67: {  	v59 =	vshrl.u32 v3, $0x3  }
0x68: {  	v4 =	vmul.u32 $0x30, v59  }
0x69: {  	v3 =	vand.u32 $0x7, v3  }
0x6a: {  	v3 =	vor.u32 v3, v4  }
0x6b: {  	v4 =	vperm.xlane v3, v0;
	_ =	sdelay $0x1  }
0x6c: {  	v4 =	vadd.s32 v1, v4;
	_ =	sdelay $0x3  }
0x6d: {  	s0 =	rddreg [dreg:$0x17];
	v3 =	vperm.xlane v3, v2  }
0x6e: {  	[tilespmem:s0], [sflag:$0x1] =	stream.indirect_vreg.gather [hbm4b:s3+s2], $0x80, v4, vm0, $0xb8;
	[tilespmem:$0x18100] =	vst v63  }
0x6f: {  	s11 =	rddreg [dreg:$0x18];
	v3 =	vadd.s32 v1, v3  }
0x70: {  	[tilespmem:s11], [sflag:$0x1] =	stream.indirect_vreg.gather [hbm4b:s4+s2], $0x80, v4, vm0, $0xb8;
	[tilespmem:$0x18100] =	vst v63  }
0x71: {  	s0 =	rddreg [dreg:$0x19]  }
0x72: {  	[tilespmem:s0], [sflag:$0x1] =	stream.indirect_vreg.gather [hbm4b:s5+s2], $0x80, v4, vm0, $0xb8;
	[tilespmem:$0x18100] =	vst v63  }
0x73: {  	s11 =	rddreg [dreg:$0x1a]  }
0x74: {  	[tilespmem:s11], [sflag:$0x1] =	stream.indirect_vreg.gather [hbm4b:s3+s2], $0x80, v3, vm0, $0xb8;
	[tilespmem:$0x18100] =	vst v63  }
0x75: {  	s0 =	rddreg [dreg:$0x1b]  }
0x76: {  	[tilespmem:s0], [sflag:$0x1] =	stream.indirect_vreg.gather [hbm4b:s4+s2], $0x80, v3, vm0, $0xb8;
	[tilespmem:$0x18100] =	vst v63  }
0x77: {  	s11 =	rddreg [dreg:$0x1c]  }
0x78: {  	[tilespmem:s11], [sflag:$0x1] =	stream.indirect_vreg.gather [hbm4b:s5+s2], $0x80, v3, vm0, $0xb8;
	[tilespmem:$0x18100] =	vst v63  }
0x79: {  	_ =	swait.ge [sflag:s9], $0xC000  }
0x7a: {  	[sflag:s9] =	ssyncset.done $0x0  }
0x7b: {  	s11 =	rddreg [dreg:$0x4];
	[sflag:s9] =	ssyncadd.s32 $0xFFFF4000  }
0x7c: {  	[hbm4b:s11+s2] =	stream.linear.scatter [tilespmem:s8], [sflag:$0x3], $0xC000, $0x38;
	[tilespmem:$0x18100] =	vst v63  }
0x7d: {  	v3 =	vld [tilespmem:$0x80];
	_ =	sdelay $0x4  }
0x7e: {  	v60 =	vshrl.u32 v3, $0x3  }
0x7f: {  	v4 =	vmul.u32 $0x30, v60  }
0x80: {  	v3 =	vand.u32 $0x7, v3  }
0x81: {  	v3 =	vor.u32 v3, v4  }
0x82: {  	v4 =	vperm.xlane v3, v0;
	_ =	sdelay $0x1  }
0x83: {  	v4 =	vadd.s32 v1, v4;
	_ =	sdelay $0x3  }
0x84: {  	s0 =	rddreg [dreg:$0x1d];
	v3 =	vperm.xlane v3, v2  }
0x85: {  	[tilespmem:s10], [sflag:$0x2] =	stream.indirect_vreg.gather [hbm4b:s3+s2], $0x80, v4, vm0, $0xb8;
	[tilespmem:$0x18100] =	vst v63  }
0x86: {  	s11 =	rddreg [dreg:$0x1e];
	v3 =	vadd.s32 v1, v3  }
0x87: {  	[tilespmem:s0], [sflag:$0x2] =	stream.indirect_vreg.gather [hbm4b:s4+s2], $0x80, v4, vm0, $0xb8;
	[tilespmem:$0x18100] =	vst v63  }
0x88: {  	s0 =	rddreg [dreg:$0x1f]  }
0x89: {  	[tilespmem:s11], [sflag:$0x2] =	stream.indirect_vreg.gather [hbm4b:s5+s2], $0x80, v4, vm0, $0xb8;
	[tilespmem:$0x18100] =	vst v63  }
0x8a: {  	s11 =	sld [smem:$0x7FC]  }
0x8b: {  	[tilespmem:s0], [sflag:$0x2] =	stream.indirect_vreg.gather [hbm4b:s3+s2], $0x80, v3, vm0, $0xb8;
	[tilespmem:$0x18100] =	vst v63  }
0x8c: {  	s0 =	sld [smem:$0x7FD]  }
0x8d: {  	[tilespmem:s11], [sflag:$0x2] =	stream.indirect_vreg.gather [hbm4b:s4+s2], $0x80, v3, vm0, $0xb8;
	[tilespmem:$0x18100] =	vst v63  }
0x8e: {  	_ = 	snop  }
0x8f: {  	[tilespmem:s0], [sflag:$0x2] =	stream.indirect_vreg.gather [hbm4b:s5+s2], $0x80, v3, vm0, $0xb8;
	[tilespmem:$0x18100] =	vst v63  }
0x90: {  	v3 =	vld [tilespmem:$0x90];
	_ =	sdelay $0x4  }
0x91: {  	v61 =	vshrl.u32 v3, $0x3  }
0x92: {  	v4 =	vmul.u32 $0x30, v61  }
0x93: {  	v3 =	vand.u32 $0x7, v3  }
0x94: {  	v3 =	vor.u32 v3, v4  }
0x95: {  	v4 =	vperm.xlane v3, v0;
	_ =	sdelay $0x1  }
0x96: {  	v4 =	vadd.s32 v1, v4;
	_ =	sdelay $0x3  }
0x97: {  	s11 =	simm.s32 $0xF100;
	v3 =	vperm.xlane v3, v2  }
0x98: {  	[tilespmem:s11], [sflag:$0x2] =	stream.indirect_vreg.gather [hbm4b:s3+s2], $0x80, v4, vm0, $0xb8;
	[tilespmem:$0x18100] =	vst v63  }
0x99: {  	v3 =	vadd.s32 v1, v3  }
0x9a: {  	[tilespmem:s12], [sflag:$0x2] =	stream.indirect_vreg.gather [hbm4b:s4+s2], $0x80, v4, vm0, $0xb8;
	[tilespmem:$0x18100] =	vst v63  }
0x9b: {  	_ = 	snop  }
0x9c: {  	[tilespmem:s13], [sflag:$0x2] =	stream.indirect_vreg.gather [hbm4b:s5+s2], $0x80, v4, vm0, $0xb8;
	[tilespmem:$0x18100] =	vst v63  }
0x9d: {  	_ = 	snop  }
0x9e: {  	[tilespmem:s14], [sflag:$0x2] =	stream.indirect_vreg.gather [hbm4b:s3+s2], $0x80, v3, vm0, $0xb8;
	[tilespmem:$0x18100] =	vst v63  }
0x9f: {  	_ = 	snop  }
0xa0: {  	[tilespmem:s15], [sflag:$0x2] =	stream.indirect_vreg.gather [hbm4b:s4+s2], $0x80, v3, vm0, $0xb8;
	[tilespmem:$0x18100] =	vst v63  }
0xa1: {  	_ = 	snop  }
0xa2: {  	[tilespmem:s16], [sflag:$0x2] =	stream.indirect_vreg.gather [hbm4b:s5+s2], $0x80, v3, vm0, $0xb8;
	[tilespmem:$0x18100] =	vst v63  }
0xa3: {  	v3 =	vld [tilespmem:$0xA0];
	_ =	sdelay $0x4  }
0xa4: {  	v62 =	vshrl.u32 v3, $0x3  }
0xa5: {  	v4 =	vmul.u32 $0x30, v62  }
0xa6: {  	v3 =	vand.u32 $0x7, v3  }
0xa7: {  	v3 =	vor.u32 v3, v4  }
0xa8: {  	v4 =	vperm.xlane v3, v0;
	_ =	sdelay $0x1  }
0xa9: {  	v4 =	vadd.s32 v1, v4;
	_ =	sdelay $0x3  }
0xaa: {  	v3 =	vperm.xlane v3, v2  }
0xab: {  	[tilespmem:s17], [sflag:$0x2] =	stream.indirect_vreg.gather [hbm4b:s3+s2], $0x80, v4, vm0, $0xb8;
	[tilespmem:$0x18100] =	vst v63  }
0xac: {  	v3 =	vadd.s32 v1, v3  }
0xad: {  	[tilespmem:s18], [sflag:$0x2] =	stream.indirect_vreg.gather [hbm4b:s4+s2], $0x80, v4, vm0, $0xb8;
	[tilespmem:$0x18100] =	vst v63  }
0xae: {  	_ = 	snop  }
0xaf: {  	[tilespmem:s19], [sflag:$0x2] =	stream.indirect_vreg.gather [hbm4b:s5+s2], $0x80, v4, vm0, $0xb8;
	[tilespmem:$0x18100] =	vst v63  }
0xb0: {  	_ = 	snop  }
0xb1: {  	[tilespmem:s20], [sflag:$0x2] =	stream.indirect_vreg.gather [hbm4b:s3+s2], $0x80, v3, vm0, $0xb8;
	[tilespmem:$0x18100] =	vst v63  }
0xb2: {  	_ = 	snop  }
0xb3: {  	[tilespmem:s21], [sflag:$0x2] =	stream.indirect_vreg.gather [hbm4b:s4+s2], $0x80, v3, vm0, $0xb8;
	[tilespmem:$0x18100] =	vst v63  }
0xb4: {  	_ = 	snop  }
0xb5: {  	[tilespmem:s22], [sflag:$0x2] =	stream.indirect_vreg.gather [hbm4b:s5+s2], $0x80, v3, vm0, $0xb8;
	[tilespmem:$0x18100] =	vst v63  }
0xb6: {  	v3 =	vld [tilespmem:$0xB0];
	_ =	sdelay $0x4  }
0xb7: {  	v63 =	vshrl.u32 v3, $0x3  }
0xb8: {  	v4 =	vmul.u32 $0x30, v63  }
0xb9: {  	v3 =	vand.u32 $0x7, v3  }
0xba: {  	v3 =	vor.u32 v3, v4  }
0xbb: {  	v4 =	vperm.xlane v3, v0;
	_ =	sdelay $0x1  }
0xbc: {  	v4 =	vadd.s32 v1, v4;
	_ =	sdelay $0x3  }
0xbd: {  	v3 =	vperm.xlane v3, v2  }
0xbe: {  	[tilespmem:s23], [sflag:$0x2] =	stream.indirect_vreg.gather [hbm4b:s3+s2], $0x80, v4, vm0, $0xb8;
	[tilespmem:$0x18100] =	vst v63  }
0xbf: {  	v3 =	vadd.s32 v1, v3  }
0xc0: {  	[tilespmem:s24], [sflag:$0x2] =	stream.indirect_vreg.gather [hbm4b:s4+s2], $0x80, v4, vm0, $0xb8;
	[tilespmem:$0x18100] =	vst v63  }
0xc1: {  	_ = 	snop  }
0xc2: {  	[tilespmem:s25], [sflag:$0x2] =	stream.indirect_vreg.gather [hbm4b:s5+s2], $0x80, v4, vm0, $0xb8;
	[tilespmem:$0x18100] =	vst v63  }
0xc3: {  	_ = 	snop  }
0xc4: {  	[tilespmem:s26], [sflag:$0x2] =	stream.indirect_vreg.gather [hbm4b:s3+s2], $0x80, v3, vm0, $0xb8;
	[tilespmem:$0x18100] =	vst v63  }
0xc5: {  	_ = 	snop  }
0xc6: {  	[tilespmem:s28], [sflag:$0x2] =	stream.indirect_vreg.gather [hbm4b:s4+s2], $0x80, v3, vm0, $0xb8;
	[tilespmem:$0x18100] =	vst v63  }
0xc7: {  	_ = 	snop  }
0xc8: {  	[tilespmem:s29], [sflag:$0x2] =	stream.indirect_vreg.gather [hbm4b:s5+s2], $0x80, v3, vm0, $0xb8;
	[tilespmem:$0x18100] =	vst v63  }
0xc9: {  	_ =	swait.ge [sflag:s30], $0xC000  }
0xca: {  	[sflag:s30] =	ssyncset.done $0x0  }
0xcb: {  	s11 =	rddreg [dreg:$0x5];
	[sflag:s30] =	ssyncadd.s32 $0xFFFF4000  }
0xcc: {  	[hbm4b:s11+s2] =	stream.linear.scatter [tilespmem:s10], [sflag:$0x4], $0xC000, $0x38;
	[tilespmem:$0x18100] =	vst v63  }
0xcd: {  	p0 =	sne.s32 s6, $0x1;
	_ =	swait.ge [sflag:s31], $0xC000  }
.Ltmp0:
0xce: {  	[sflag:s31] =	ssyncset.done $0x0;
	(pc) =	sbr.rel @p0 .LBB2_1-.Ltmp0, $4  }
0xcf: {  	[sflag:s31] =	ssyncadd.s32 $0xFFFF4000  }
0xd0: {  	_ =	swait.ge [sflag:s1], $0xC000  }
0xd1: {  	[sflag:s1] =	ssyncset.done $0x0  }
0xd2: {  	s6 =	sadd.s32 $0xFFFFFFFF, s6;
	[sflag:s1] =	ssyncadd.s32 $0xFFFF4000  }
0xd3: {  	_ =	sfence.sel $0x180000  }
0xd4: {  	[bflag:$0x0] =	sbarrier.arrive $0xFFFF  }
0xd5: {  	_ =	strace $0x9000004A  }
0xd6: {  	s0 =	stileid.u32;
	[bflag:$0x2] =	sbarrier.arrive $0xFFFF  }
0xd7: {  	p0 =	sne.s32 s0, $0x0;
	s0 =	rddreg [dreg:$0x2]  }
0xd8: {  	s0 =	sadd.s32 @!p0 $0x100000, s0  }
0xd9: {  	[sflag:s0] =	ssyncadd.tile.s32 @!p0 $0x1;
	_ =	shalt  }
.Lfunc_end2:
_tile_overlayer_lowered:
.L_overlay_start_2:
0xda: {  	(tag) =	ssettag $0x2  }
0xdb: {  	s0 =	rddreg [dreg:$0x0];
	s2 =	stileid.u32  }
0xdc: {  	s1 =	rddreg [dreg:$0x1];
	p0 =	sne.s32 s2, $0x0  }
0xdd: {  	s3 =	rddreg [dreg:$0x2];
	[bflag:$0x3] =	sbarrier.arrive $0xFFFF;
	s2 =	simm.s32 @!p0 $0x1C05  }
0xde: {  	[timem:s3], [sflag:s2] =	dma.local @!p0 [hbm:s0], s1  }
0xdf: {  	s0 =	simm.s32 @!p0 $0x5  }
0xe0: {  	_ =	swait.ge @!p0 [sflag:s0], s1  }
0xe1: {  	s1 =	ssub.s32 @!p0 $0x0, s1;
	[sflag:s0] =	ssyncset.done @!p0 $0x0  }
0xe2: {  	[sflag:s0] =	ssyncadd.s32 @!p0 s1  }
0xe3: {  	[bflag:$0x3] =	sbarrier.arrive $0xFFFF  }
0xe4: {  	_ =	shalt  }

// kernel: kernel.15.cloned.1.call-start
scs
__scs_entry_jumppad:
0x0: {  	(pc) =	sbr.rel $0x88, $3  }
0x1: {  	(tag) =	ssettag $0x0;
	lr =	simm.s32 $0x1  }
0x2: {  	[smem:$0x3F99] =	sst lr;
	_ =	strace $0xD0000000  }
0x3: {  	_ = 	snop  }
0x4: {  	_ = 	snop  }
0x5: {  	_ = 	snop  }
0x6: {  	_ = 	snop  }
0x7: {  	_ = 	snop  }
__scs_overlays_trampoline_lowered:
0x8: {  	[smem:$0x3FA8] =	sst s0  }
0x9: {  	[smem:$0x3FA9] =	sst s1  }
0xa: {  	[smem:$0x3FAA] =	sst s2  }
0xb: {  	[smem:$0x3FAB] =	sst s3  }
0xc: {  	[smem:$0x3FAC] =	sst s4  }
0xd: {  	[smem:$0x3FAD] =	sst s5  }
0xe: {  	[smem:$0x3FAE] =	sst s6  }
0xf: {  	[smem:$0x3FAF] =	sst s7  }
0x10: {  	[smem:$0x3FB0] =	sst s8  }
0x11: {  	[smem:$0x3FB1] =	sst s9;
	s0 =	simm.s32 @!p0 $0x0  }
0x12: {  	s1 =	sld [smem:$0x3F97];
	s0 =	simm.s32 @p0 $0x1  }
0x13: {  	[smem:$0x3FB2] =	sst s0;
	s0 =	simm.s32 @!p1 $0x0  }
0x14: {  	s2 =	sld [smem:$0x3F96];
	s0 =	simm.s32 @p1 $0x1  }
0x15: {  	[smem:$0x3FB3] =	sst s0;
	s0 =	simm.s32 @!p2 $0x0  }
0x16: {  	s3 =	sld [smem:$0x3FDB];
	s0 =	simm.s32 @p2 $0x1  }
0x17: {  	s4 =	simm.s32 $0x1BF5;
	[smem:$0x3FB5] =	sst s0  }
0x18: {  	s0 =	sld [smem:$0x3F98];
	_ =	swait.ge [sflag:s4], $0x0  }
0x19: {  	s7 =	sld [smem:$0x3F99]  }
0x1a: {  	s8 =	sadd.s32 $0xFFFFE003, lr  }
0x1b: {  	s9 =	sadd.s32 $0xFFFFFEF7, lr;
	s5 =	simm.s32 $0xFFFFFFFF;
	p2 =	slt.u32 s8, $0xFFFFF086  }
0x1c: {  	p1 =	slt.u32 s9, $0xF7A;
	s5 =	simm.s32 @!p2 $0x0  }
0x1d: {  	s5 =	simm.s32 @p1 $0x1;
	p0 =	seq.s32 s7, s2  }
0x1e: {  	s7 =	smul.u32 @!p0 $0xF7A, s2;
	p2 =	seq.s32 @!p0 s5, $0x0  }
0x1f: {  	s9 =	smul.u32 $0xF7A, s1;
	s8 =	simm.s32 @!p0 $0x1BF5;
	p2 =	por !p2, p0  }
0x20: {  	[sflag:s8] =	ssyncset.s32 @!p0 $0xFFFFF086;
	s6 =	sadd.s32 @!p0 s3, s7;
	s7 =	simm.s32 @!p0 $0x108  }
0x21: {  	s3 =	sadd.s32 s3, s9;
	s6 =	sadd.s32 @!p0 $0x88, s6;
	s7 =	simm.s32 @p2 $0x1082  }
0x22: {  	[simem:s7], [sflag:s8] =	dma.local @!p0 [hbm:s6], $0xF7A  }
0x23: {  	s9 =	sor.u32 $0xD0000000, s2;
	s6 =	simm.s32 $0x108;
	_ =	swait.ge @!p0 [sflag:s8], $0x0  }
0x24: {  	s3 =	sadd.s32 $0x88, s3;
	s6 =	simm.s32 @!p1 $0x1082;
	[sflag:s4] =	ssyncset.s32 $0xFFFFF086  }
0x25: {  	[simem:s6], [sflag:s4] =	dma.local [hbm:s3], $0xF7A  }
0x26: {  	[smem:$0x3F99] =	sst s1;
	(tag) =	ssettag s2;
	_ =	strace s9  }
0x27: {  	s1 =	sld [smem:$0x3FA9]  }
0x28: {  	s2 =	sld [smem:$0x3FAA]  }
0x29: {  	s4 =	sld [smem:$0x3FAC]  }
0x2a: {  	p0 =	seq.s32 s5, $0x0;
	s5 =	sld [smem:$0x3FAD]  }
0x2b: {  	s6 =	sld [smem:$0x3FAE]  }
0x2c: {  	s7 =	sld [smem:$0x3FAF]  }
0x2d: {  	s3 =	simm.s32 $0x108;
	s8 =	sld [smem:$0x3FB0]  }
0x2e: {  	s3 =	simm.s32 @!p0 $0x1082;
	s9 =	sld [smem:$0x3FB1]  }
0x2f: {  	lr =	sadd.s32 s0, s3;
	s0 =	sld [smem:$0x3FA8]  }
0x30: {  	s3 =	sld [smem:$0x3FAB]  }
0x31: {  	[smem:$0x3FB4] =	sst s10  }
0x32: {  	s10 =	sld [smem:$0x3FB2];
	_ =	sdelay $0x3  }
0x33: {  	p0 =	seq.s32 s10, $0x1;
	s10 =	sld [smem:$0x3FB4];
	_ =	sdelay $0x3  }
0x34: {  	[smem:$0x3FB4] =	sst s10  }
0x35: {  	s10 =	sld [smem:$0x3FB3];
	_ =	sdelay $0x3  }
0x36: {  	p1 =	seq.s32 s10, $0x1;
	s10 =	sld [smem:$0x3FB4];
	_ =	sdelay $0x3  }
0x37: {  	[smem:$0x3FB4] =	sst s10  }
0x38: {  	s10 =	sld [smem:$0x3FB5]  }
0x39: {  	_ = 	snop;
	(pc) =	sbr.ind lr, $3  }
0x3a: {  	_ = 	snop  }
0x3b: {  	_ = 	snop  }
0x3c: {  	p2 =	seq.s32 s10, $0x1;
	s10 =	sld [smem:$0x3FB4]  }
0x3d: {  	_ =	shalt  }
0x3e: {  	_ =	shalt  }
0x3f: {  	_ =	shalt  }
0x40: {  	_ =	shalt  }
0x41: {  	_ =	shalt  }
0x42: {  	_ =	shalt  }
0x43: {  	_ =	shalt  }
0x44: {  	_ =	shalt  }
0x45: {  	_ =	shalt  }
0x46: {  	_ =	shalt  }
0x47: {  	_ =	shalt  }
0x48: {  	_ =	shalt  }
0x49: {  	_ =	shalt  }
0x4a: {  	_ =	shalt  }
0x4b: {  	_ =	shalt  }
0x4c: {  	_ =	shalt  }
0x4d: {  	_ =	shalt  }
0x4e: {  	_ =	shalt  }
0x4f: {  	_ =	shalt  }
0x50: {  	_ =	shalt  }
0x51: {  	_ =	shalt  }
0x52: {  	_ =	shalt  }
0x53: {  	_ =	shalt  }
0x54: {  	_ =	shalt  }
0x55: {  	_ =	shalt  }
0x56: {  	_ =	shalt  }
0x57: {  	_ =	shalt  }
0x58: {  	_ =	shalt  }
0x59: {  	_ =	shalt  }
0x5a: {  	_ =	shalt  }
0x5b: {  	_ =	shalt  }
0x5c: {  	_ =	shalt  }
0x5d: {  	_ =	shalt  }
0x5e: {  	_ =	shalt  }
0x5f: {  	_ =	shalt  }
0x60: {  	_ =	shalt  }
0x61: {  	_ =	shalt  }
0x62: {  	_ =	shalt  }
0x63: {  	_ =	shalt  }
0x64: {  	_ =	shalt  }
0x65: {  	_ =	shalt  }
0x66: {  	_ =	shalt  }
0x67: {  	_ =	shalt  }
0x68: {  	_ =	shalt  }
0x69: {  	_ =	shalt  }
0x6a: {  	_ =	shalt  }
0x6b: {  	_ =	shalt  }
0x6c: {  	_ =	shalt  }
0x6d: {  	_ =	shalt  }
0x6e: {  	_ =	shalt  }
0x6f: {  	_ =	shalt  }
0x70: {  	_ =	shalt  }
0x71: {  	_ =	shalt  }
0x72: {  	_ =	shalt  }
0x73: {  	_ =	shalt  }
0x74: {  	_ =	shalt  }
0x75: {  	_ =	shalt  }
0x76: {  	_ =	shalt  }
0x77: {  	_ =	shalt  }
0x78: {  	_ =	shalt  }
0x79: {  	_ =	shalt  }
0x7a: {  	_ =	shalt  }
0x7b: {  	_ =	shalt  }
0x7c: {  	_ =	shalt  }
0x7d: {  	_ =	shalt  }
0x7e: {  	_ =	shalt  }
0x7f: {  	_ =	shalt  }
0x80: {  	_ =	shalt  }
0x81: {  	_ =	shalt  }
0x82: {  	_ =	shalt  }
0x83: {  	_ =	shalt  }
0x84: {  	_ =	shalt  }
0x85: {  	_ =	shalt  }
0x86: {  	_ =	shalt  }
0x87: {  	_ =	shalt  }
.Lfunc_end0:
.L_simem_size_0:
called_computation.2_lowered:
.L_overlay_start_0:
0x88: {  	s2 =	sld [smem:$0x3FD9]  }
0x89: {  	s3 =	sld [smem:$0x3FFE];
	_ =	sdelay $0x1  }
0x8a: {  	s1 =	srdreg.scid  }
0x8b: {  	s0 =	sand.u32 $0x1, s1  }
0x8c: {  	s17 =	sshll.u32 s0, $0xA;
	s2 =	sadd.s32 s3, s2  }
0x8d: {  	s2 =	sadd.s32 s2, s17  }
0x8e: {  	[smem:$0x3FC0] =	sst s2  }
0x8f: {  	_ = 	snop  }
0x90: {  	(tm) =	ssettm $0x1  }
0x91: {  	s18 =	sld [smem:$0x3FFB];
	_ =	sdelay $0x3  }
0x92: {  	_ =	strace s18  }
0x93: {  	s2 =	sld [smem:$0x3FFC];
	_ =	sdelay $0x3  }
0x94: {  	_ =	strace s2  }
0x95: {  	s2 =	sld [smem:$0x3FFD];
	_ =	sdelay $0x3  }
0x96: {  	_ =	strace s2  }
0x97: {  	_ =	strace $0x8FFFFFFF  }
0x98: {  	s19 =	sld [smem:$0x3FDB];
	_ =	sdelay $0x1  }
0x99: {  	s20 =	simm.s32 $_scs_section_size  }
0x9a: {  	s4 =	simm.s32 $_size__tile_overlayer_lowered;
	s5 =	simm.s32 $_tile_overlayer_lowered  }
0x9b: {  	s6 =	simm.s32 $0x1BFF;
	s21 =	sshll.u32 s5, $0x1;
	s3 =	sadd.s32 s20, s19  }
0x9c: {  	s22 =	simm.s32 $0x0;
	s4 =	sshll.u32 s4, $0x1;
	s5 =	sadd.s32 s21, s3  }
0x9d: {  	[timem:s22], [sflag:s6] =	dma.local [hbm:s5], s4  }
0x9e: {  	_ =	swait.ge [sflag:s6], s4  }
0x9f: {  	s4 =	ssub.s32 $0x0, s4;
	[sflag:s6] =	ssyncset.done $0x0  }
0xa0: {  	[sflag:s6] =	ssyncadd.s32 s4;
	_ =	sdelay $0x1  }
0xa1: {  	s23 =	simm.s32 $0x1B8B  }
0xa2: {  	_ =	swait.ge [sflag:s23], $0x1  }
0xa3: {  	[sflag:s23] =	ssyncset.done $0x0  }
0xa4: {  	[sflag:s23] =	ssyncadd.s32 $0xFFFFFFFF  }
0xa5: {  	s4 =	sld [smem:$0x0]  }
0xa6: {  	s5 =	sand.u32 $0xFFFFFFFE, s1  }
0xa7: {  	p0 =	sne.s32 s1, s5  }
0xa8: {  	s5 =	sshll.u32 @p0 s5, $0xE  }
0xa9: {  	s5 =	sadd.s32 @p0 $0x11B8D, s5;
	s6 =	sshll.u32 @p0 s4, $0x11  }
0xaa: {  	s5 =	sor.u32 @p0 s6, s5  }
0xab: {  	[sflag:s5] =	ssyncadd.remote.s32 @p0 $0x1;
	_ =	sdelay $0x1  }
0xac: {  	s5 =	simm.s32 @p0 $0x1B8D  }
0xad: {  	_ =	swait.eq @p0 [sflag:s5], $0x1  }
0xae: {  	[sflag:s5] =	ssyncadd.s32 @p0 $0xFFFFFFFF  }
0xaf: {  	s6 =	sshll.u32 @!p0 s1, $0xE  }
0xb0: {  	s6 =	sor.u32 @!p0 $0x4000, s6;
	s5 =	simm.s32 @!p0 $0x1B8D  }
0xb1: {  	s4 =	sshll.u32 @!p0 s4, $0x11;
	s6 =	sadd.s32 @!p0 $0x11B8D, s6;
	_ =	swait.eq @!p0 [sflag:s5], $0x1  }
0xb2: {  	s4 =	sor.u32 @!p0 s4, s6;
	[sflag:s5] =	ssyncadd.s32 @!p0 $0xFFFFFFFF  }
0xb3: {  	s25 =	simm.s32 $0x1B8E;
	s24 =	sld [smem:$0x3FFE];
	[sflag:s4] =	ssyncadd.remote.s32 @!p0 $0x1  }
0xb4: {  	s26 =	simm.s32 $execute0_lowered;
	[smem:$0x3FD2] =	sst s25  }
0xb5: {  	s5 =	sshll.u32 s26, $0x1;
	_ =	strace $0x8000004C;
	[dreg:$0x1] =	wrdreg $0xFFFFFFFF  }
0xb6: {  	s28 =	simm.s32 $_size_execute0_lowered;
	s3 =	sadd.s32 s3, s5;
	[dreg:$0x0] =	wrdreg $0x0  }
0xb7: {  	s5 =	sshll.u32 s28, $0x1;
	[dreg:$0x2] =	wrdreg s3  }
0xb8: {  	[dreg:$0x3] =	wrdreg s5  }
0xb9: {  	[dreg:$0x4] =	wrdreg $0xC0  }
0xba: {  	_ =	task [dreg:s22], $0x5FFFF  }
0xbb: {  	[dreg:$0x1] =	wrdreg $0xFFFFFFFF  }
0xbc: {  	[dreg:$0x0] =	wrdreg $0x60  }
0xbd: {  	[dreg:$0x2] =	wrdreg s24  }
0xbe: {  	[dreg:$0x3] =	wrdreg $0xA  }
0xbf: {  	_ =	task.clear_ibuf [dreg:s22], $0x4FFFF;
	_ =	strace $0x9000004C  }
0xc0: {  	s29 =	simm.s32 $0xA;
	_ =	strace $0x8000004E  }
0xc1: {  	_ =	swait.ge [sflag:s29], $0x1  }
0xc2: {  	[sflag:s29] =	ssyncadd.s32 $0xFFFFFFFF  }
0xc3: {  	_ =	strace $0x9000004E  }
0xc4: {  	_ =	sfence  }
0xc5: {  	s30 =	sld [smem:$0x0];
	_ =	sdelay $0x2  }
0xc6: {  	s31 =	sshll.u32 s1, $0xD;
	s1 =	sshrl.u32 s1, $0x2  }
0xc7: {  	s4 =	sand.u32 $0x4000, s31;
	s1 =	sadd.s32 s1, s30  }
0xc8: {  	s0 =	sor.u32 s4, s0;
	s1 =	sshll.u32 s1, $0x11  }
0xc9: {  	s0 =	sor.u32 s1, s0  }
0xca: {  	s0 =	sadd.s32 $0x8F2B, s0  }
0xcb: {  	[sflag:s0] =	ssyncadd.remote.s32 $0x1  }
0xcc: {  	_ =	sfence.sel $0xFFFF  }
0xcd: {  	[dreg:$0x0] =	wrdreg $0xFFFFFFFF;
	(pc) =	sbr.abs _section_cstart, $3  }
0xce: {  	[dreg:$0x1] =	wrdreg $0xFFFFFFFF  }
0xcf: {  	_ =	task.clear_ibuf [dreg:s22], $0x2FFFF;
	_ =	strace $0x9FFFFFFF  }
0xd0: {  	(tm) =	ssettm $0x7FFFFFFF  }
0xd1: {  	_ =	shalt  }
tec
execute0_lowered:
.L_overlay_start_1:
0x0: {  	(tag) =	ssettag $0x1  }
0x1: {  	s2 =	srdreg.scid  }
0x2: {  	s1 =	rddreg [dreg:$0x0];
	s4 =	sand.u32 $0x1, s2;
	s2 =	simm.s32 $0x0  }
0x3: {  	s21 =	simm.s32 $0x900;
	[smem:$0x7FF] =	sst s2  }
0x4: {  	s22 =	simm.s32 $0x1100;
	_ =	strace $0x8000004D;
	[dreg:$0x5] =	wrdreg s21  }
0x5: {  	s23 =	simm.s32 $0x1900;
	[dreg:$0x6] =	wrdreg s22  }
0x6: {  	s24 =	simm.s32 $0x2100;
	[dreg:$0x7] =	wrdreg s23  }
0x7: {  	s25 =	simm.s32 $0x2900;
	[dreg:$0x8] =	wrdreg s24  }
0x8: {  	s0 =	stileid.u32;
	s26 =	simm.s32 $0x3100;
	[dreg:$0x9] =	wrdreg s25  }
0x9: {  	s3 =	sshll.u32 s0, $0x1;
	s0 =	simm.s32 $0x3900;
	[dreg:$0xa] =	wrdreg s26  }
0xa: {  	s8 =	simm.s32 $0x5900;
	[dreg:$0xb] =	wrdreg s0  }
0xb: {  	s9 =	simm.s32 $0x6100;
	[dreg:$0xf] =	wrdreg s8  }
0xc: {  	s10 =	simm.s32 $0x6900;
	s11 =	simm.s32 $0x7100;
	[dreg:$0x10] =	wrdreg s9  }
0xd: {  	s12 =	simm.s32 $0x7900;
	s13 =	simm.s32 $0x8100;
	[dreg:$0x11] =	wrdreg s10  }
0xe: {  	s14 =	simm.s32 $0x8900;
	s15 =	simm.s32 $0x9100;
	[dreg:$0x12] =	wrdreg s11  }
0xf: {  	s16 =	simm.s32 $0x9900;
	s17 =	simm.s32 $0xA100;
	[dreg:$0x13] =	wrdreg s12  }
0x10: {  	s18 =	simm.s32 $0xA900;
	s28 =	simm.s32 $0x17100;
	[dreg:$0x14] =	wrdreg s13  }
0x11: {  	s29 =	simm.s32 $0x17900;
	s30 =	simm.s32 $0x2;
	[dreg:$0x15] =	wrdreg s14  }
0x12: {  	s31 =	simm.s32 $0x3;
	s7 =	sadd.s32 $0x1800, s1;
	[dreg:$0x16] =	wrdreg s15  }
0x13: {  	s3 =	sor.u32 s4, s3;
	s4 =	ssub.s32 $0x2, s4;
	[dreg:$0x17] =	wrdreg s16  }
0x14: {  	s5 =	sshll.u32 s3, $0x5;
	s6 =	smul.u32 $0x18000, s3;
	[dreg:$0x18] =	wrdreg s17  }
0x15: {  	s3 =	smul.u32 $0x3000, s3;
	[dreg:$0x19] =	wrdreg s18;
	s21 =	simm.s32 $0xB900  }
0x16: {  	s22 =	simm.s32 $0xC900;
	s23 =	simm.s32 $0xD100;
	s24 =	simm.s32 $0xD900  }
0x17: {  	s25 =	simm.s32 $0xE100;
	s8 =	simm.s32 $0x100;
	s26 =	simm.s32 $0xE900  }
0x18: {  	s9 =	simm.s32 $0x1;
	s10 =	simm.s32 $0xC100;
	[dreg:$0x1b] =	wrdreg s21  }
0x19: {  	s12 =	simm.s32 $0xF900;
	s13 =	simm.s32 $0x10100;
	[dreg:$0x1c] =	wrdreg s22  }
0x1a: {  	s14 =	simm.s32 $0x10900;
	s15 =	simm.s32 $0x11100;
	[dreg:$0x1d] =	wrdreg s23  }
0x1b: {  	s16 =	simm.s32 $0x11900;
	s17 =	simm.s32 $0x12100;
	[dreg:$0x1e] =	wrdreg s24  }
0x1c: {  	s18 =	simm.s32 $0x12900;
	s5 =	sadd.s32 s5, s1;
	[dreg:$0x1f] =	wrdreg s25  }
0x1d: {  	[smem:$0x7FD] =	sst s26;
	s21 =	simm.s32 $0x14100;
	s22 =	simm.s32 $0x14900  }
0x1e: {  	s23 =	simm.s32 $0x15100;
	s24 =	simm.s32 $0x15900;
	s5 =	sadd.s32 $0x182000, s5  }
0x1f: {  	s25 =	simm.s32 $0x16100;
	s3 =	sadd.s32 s7, s3;
	[dreg:$0x2] =	wrdreg s5  }
0x20: {  	s6 =	sshrl.u32 s6, $0x3;
	[dreg:$0x3] =	wrdreg s3;
	s5 =	simm.s32 $0x4100  }
0x21: {  	s19 =	sadd.s32 s7, s6;
	s6 =	simm.s32 $0x4900;
	[dreg:$0xc] =	wrdreg s5  }
0x22: {  	s26 =	simm.s32 $0x16900;
	s7 =	simm.s32 $0x5100;
	[dreg:$0xd] =	wrdreg s6  }
0x23: {  	s3 =	sadd.s32 $0x182400, s1;
	s20 =	sadd.s32 $0x1800, s19;
	[dreg:$0xe] =	wrdreg s7  }
0x24: {  	s19 =	sshrl.u32 s4, $0x1;
	s5 =	sadd.s32 $0x182600, s1;
	s7 =	simm.s32 $0x5  }
0x25: {  	v2 =	vlaneseq.u32;
	[dreg:$0x4] =	wrdreg s20;
	s20 =	simm.s32 $0xB100;
	s6 =	ssub.s32 s4, s19  }
0x26: {  	vm0 =	vmmov $0xffff;
	v1 =	vshrl.u32 v2, $0x3;
	s4 =	sadd.s32 $0x182500, s1;
	s19 =	simm.s32 $0x13100;
	s1 =	simm.s32 $0x4  }
0x27: {  	v0 =	vand.u32 $0x7, v2;
	v2 =	vor.u32 $0x8, v2;
	v1 =	vmul.u32 $0x8, v1;
	[dreg:$0x1a] =	wrdreg s20;
	s6 =	smax.u32 s6, $0x1;
	s20 =	simm.s32 $0x13900  }
.LBB2_1:
0x28: {  	s0 =	rddreg [dreg:$0x2]  }
0x29: {  	[tilespmem:s2], [sflag:$0x5] =	stream.linear.gather [hbm4b:s0+s2], $0x100, $0x38;
	[tilespmem:$0x18100] =	vst v63  }
0x2a: {  	_ =	swait.ge [sflag:s7], $0x100  }
0x2b: {  	[sflag:s7] =	ssyncset.done $0x0  }
0x2c: {  	[sflag:s7] =	ssyncadd.s32 $0xFFFFFF00  }
0x2d: {  	v3 =	vld [tilespmem:$0x0];
	_ =	sdelay $0x4  }
0x2e: {  	v4 =	vshrl.u32 v3, $0x3  }
0x2f: {  	v4 =	vmul.u32 $0x30, v4  }
0x30: {  	v3 =	vand.u32 $0x7, v3  }
0x31: {  	v3 =	vor.u32 v3, v4  }
0x32: {  	v4 =	vperm.xlane v3, v0;
	_ =	sdelay $0x1  }
0x33: {  	v4 =	vadd.s32 v1, v4;
	_ =	sdelay $0x3  }
0x34: {  	v3 =	vperm.xlane v3, v2  }
0x35: {  	[tilespmem:s8], [sflag:$0x1] =	stream.indirect_vreg.gather [hbm4b:s3+s2], $0x80, v4, vm0, $0xb8;
	[tilespmem:$0x18100] =	vst v63  }
0x36: {  	s0 =	rddreg [dreg:$0x5];
	v3 =	vadd.s32 v1, v3  }
0x37: {  	[tilespmem:s0], [sflag:$0x1] =	stream.indirect_vreg.gather [hbm4b:s4+s2], $0x80, v4, vm0, $0xb8;
	[tilespmem:$0x18100] =	vst v63  }
0x38: {  	s11 =	rddreg [dreg:$0x6]  }
0x39: {  	[tilespmem:s11], [sflag:$0x1] =	stream.indirect_vreg.gather [hbm4b:s5+s2], $0x80, v4, vm0, $0xb8;
	[tilespmem:$0x18100] =	vst v63  }
0x3a: {  	s0 =	rddreg [dreg:$0x7]  }
0x3b: {  	[tilespmem:s0], [sflag:$0x1] =	stream.indirect_vreg.gather [hbm4b:s3+s2], $0x80, v3, vm0, $0xb8;
	[tilespmem:$0x18100] =	vst v63  }
0x3c: {  	s11 =	rddreg [dreg:$0x8]  }
0x3d: {  	[tilespmem:s11], [sflag:$0x1] =	stream.indirect_vreg.gather [hbm4b:s4+s2], $0x80, v3, vm0, $0xb8;
	[tilespmem:$0x18100] =	vst v63  }
0x3e: {  	s0 =	rddreg [dreg:$0x9]  }
0x3f: {  	[tilespmem:s0], [sflag:$0x1] =	stream.indirect_vreg.gather [hbm4b:s5+s2], $0x80, v3, vm0, $0xb8;
	[tilespmem:$0x18100] =	vst v63  }
0x40: {  	v3 =	vld [tilespmem:$0x10];
	_ =	sdelay $0x4  }
0x41: {  	v57 =	vshrl.u32 v3, $0x3  }
0x42: {  	v4 =	vmul.u32 $0x30, v57  }
0x43: {  	v3 =	vand.u32 $0x7, v3  }
0x44: {  	v3 =	vor.u32 v3, v4  }
0x45: {  	v4 =	vperm.xlane v3, v0;
	_ =	sdelay $0x1  }
0x46: {  	v4 =	vadd.s32 v1, v4;
	_ =	sdelay $0x3  }
0x47: {  	s0 =	rddreg [dreg:$0xa];
	v3 =	vperm.xlane v3, v2  }
0x48: {  	[tilespmem:s0], [sflag:$0x1] =	stream.indirect_vreg.gather [hbm4b:s3+s2], $0x80, v4, vm0, $0xb8;
	[tilespmem:$0x18100] =	vst v63  }
0x49: {  	s11 =	rddreg [dreg:$0xb];
	v3 =	vadd.s32 v1, v3  }
0x4a: {  	[tilespmem:s11], [sflag:$0x1] =	stream.indirect_vreg.gather [hbm4b:s4+s2], $0x80, v4, vm0, $0xb8;
	[tilespmem:$0x18100] =	vst v63  }
0x4b: {  	s0 =	rddreg [dreg:$0xc]  }
0x4c: {  	[tilespmem:s0], [sflag:$0x1] =	stream.indirect_vreg.gather [hbm4b:s5+s2], $0x80, v4, vm0, $0xb8;
	[tilespmem:$0x18100] =	vst v63  }
0x4d: {  	s11 =	rddreg [dreg:$0xd]  }
0x4e: {  	[tilespmem:s11], [sflag:$0x1] =	stream.indirect_vreg.gather [hbm4b:s3+s2], $0x80, v3, vm0, $0xb8;
	[tilespmem:$0x18100] =	vst v63  }
0x4f: {  	s0 =	rddreg [dreg:$0xe]  }
0x50: {  	[tilespmem:s0], [sflag:$0x1] =	stream.indirect_vreg.gather [hbm4b:s4+s2], $0x80, v3, vm0, $0xb8;
	[tilespmem:$0x18100] =	vst v63  }
0x51: {  	s11 =	rddreg [dreg:$0xf]  }
0x52: {  	[tilespmem:s11], [sflag:$0x1] =	stream.indirect_vreg.gather [hbm4b:s5+s2], $0x80, v3, vm0, $0xb8;
	[tilespmem:$0x18100] =	vst v63  }
0x53: {  	v3 =	vld [tilespmem:$0x20];
	_ =	sdelay $0x4  }
0x54: {  	v58 =	vshrl.u32 v3, $0x3  }
0x55: {  	v4 =	vmul.u32 $0x30, v58  }
0x56: {  	v3 =	vand.u32 $0x7, v3  }
0x57: {  	v3 =	vor.u32 v3, v4  }
0x58: {  	v4 =	vperm.xlane v3, v0;
	_ =	sdelay $0x1  }
0x59: {  	v4 =	vadd.s32 v1, v4;
	_ =	sdelay $0x3  }
0x5a: {  	s0 =	rddreg [dreg:$0x10];
	v3 =	vperm.xlane v3, v2  }
0x5b: {  	[tilespmem:s0], [sflag:$0x1] =	stream.indirect_vreg.gather [hbm4b:s3+s2], $0x80, v4, vm0, $0xb8;
	[tilespmem:$0x18100] =	vst v63  }
0x5c: {  	s11 =	rddreg [dreg:$0x11];
	v3 =	vadd.s32 v1, v3  }
0x5d: {  	[tilespmem:s11], [sflag:$0x1] =	stream.indirect_vreg.gather [hbm4b:s4+s2], $0x80, v4, vm0, $0xb8;
	[tilespmem:$0x18100] =	vst v63  }
0x5e: {  	s0 =	rddreg [dreg:$0x12]  }
0x5f: {  	[tilespmem:s0], [sflag:$0x1] =	stream.indirect_vreg.gather [hbm4b:s5+s2], $0x80, v4, vm0, $0xb8;
	[tilespmem:$0x18100] =	vst v63  }
0x60: {  	s11 =	rddreg [dreg:$0x13]  }
0x61: {  	[tilespmem:s11], [sflag:$0x1] =	stream.indirect_vreg.gather [hbm4b:s3+s2], $0x80, v3, vm0, $0xb8;
	[tilespmem:$0x18100] =	vst v63  }
0x62: {  	s0 =	rddreg [dreg:$0x14]  }
0x63: {  	[tilespmem:s0], [sflag:$0x1] =	stream.indirect_vreg.gather [hbm4b:s4+s2], $0x80, v3, vm0, $0xb8;
	[tilespmem:$0x18100] =	vst v63  }
0x64: {  	s11 =	rddreg [dreg:$0x15]  }
0x65: {  	[tilespmem:s11], [sflag:$0x1] =	stream.indirect_vreg.gather [hbm4b:s5+s2], $0x80, v3, vm0, $0xb8;
	[tilespmem:$0x18100] =	vst v63  }
0x66: {  	v3 =	vld [tilespmem:$0x30];
	_ =	sdelay $0x4  }
0x67: {  	v59 =	vshrl.u32 v3, $0x3  }
0x68: {  	v4 =	vmul.u32 $0x30, v59  }
0x69: {  	v3 =	vand.u32 $0x7, v3  }
0x6a: {  	v3 =	vor.u32 v3, v4  }
0x6b: {  	v4 =	vperm.xlane v3, v0;
	_ =	sdelay $0x1  }
0x6c: {  	v4 =	vadd.s32 v1, v4;
	_ =	sdelay $0x3  }
0x6d: {  	s0 =	rddreg [dreg:$0x16];
	v3 =	vperm.xlane v3, v2  }
0x6e: {  	[tilespmem:s0], [sflag:$0x1] =	stream.indirect_vreg.gather [hbm4b:s3+s2], $0x80, v4, vm0, $0xb8;
	[tilespmem:$0x18100] =	vst v63  }
0x6f: {  	s11 =	rddreg [dreg:$0x17];
	v3 =	vadd.s32 v1, v3  }
0x70: {  	[tilespmem:s11], [sflag:$0x1] =	stream.indirect_vreg.gather [hbm4b:s4+s2], $0x80, v4, vm0, $0xb8;
	[tilespmem:$0x18100] =	vst v63  }
0x71: {  	s0 =	rddreg [dreg:$0x18]  }
0x72: {  	[tilespmem:s0], [sflag:$0x1] =	stream.indirect_vreg.gather [hbm4b:s5+s2], $0x80, v4, vm0, $0xb8;
	[tilespmem:$0x18100] =	vst v63  }
0x73: {  	s11 =	rddreg [dreg:$0x19]  }
0x74: {  	[tilespmem:s11], [sflag:$0x1] =	stream.indirect_vreg.gather [hbm4b:s3+s2], $0x80, v3, vm0, $0xb8;
	[tilespmem:$0x18100] =	vst v63  }
0x75: {  	s0 =	rddreg [dreg:$0x1a]  }
0x76: {  	[tilespmem:s0], [sflag:$0x1] =	stream.indirect_vreg.gather [hbm4b:s4+s2], $0x80, v3, vm0, $0xb8;
	[tilespmem:$0x18100] =	vst v63  }
0x77: {  	s11 =	rddreg [dreg:$0x1b]  }
0x78: {  	[tilespmem:s11], [sflag:$0x1] =	stream.indirect_vreg.gather [hbm4b:s5+s2], $0x80, v3, vm0, $0xb8;
	[tilespmem:$0x18100] =	vst v63  }
0x79: {  	_ =	swait.ge [sflag:s9], $0xC000  }
0x7a: {  	[sflag:s9] =	ssyncset.done $0x0  }
0x7b: {  	s11 =	rddreg [dreg:$0x3];
	[sflag:s9] =	ssyncadd.s32 $0xFFFF4000  }
0x7c: {  	[hbm4b:s11+s2] =	stream.linear.scatter [tilespmem:s8], [sflag:$0x3], $0xC000, $0x38;
	[tilespmem:$0x18100] =	vst v63  }
0x7d: {  	v3 =	vld [tilespmem:$0x80];
	_ =	sdelay $0x4  }
0x7e: {  	v60 =	vshrl.u32 v3, $0x3  }
0x7f: {  	v4 =	vmul.u32 $0x30, v60  }
0x80: {  	v3 =	vand.u32 $0x7, v3  }
0x81: {  	v3 =	vor.u32 v3, v4  }
0x82: {  	v4 =	vperm.xlane v3, v0;
	_ =	sdelay $0x1  }
0x83: {  	v4 =	vadd.s32 v1, v4;
	_ =	sdelay $0x3  }
0x84: {  	s0 =	rddreg [dreg:$0x1c];
	v3 =	vperm.xlane v3, v2  }
0x85: {  	[tilespmem:s10], [sflag:$0x2] =	stream.indirect_vreg.gather [hbm4b:s3+s2], $0x80, v4, vm0, $0xb8;
	[tilespmem:$0x18100] =	vst v63  }
0x86: {  	s11 =	rddreg [dreg:$0x1d];
	v3 =	vadd.s32 v1, v3  }
0x87: {  	[tilespmem:s0], [sflag:$0x2] =	stream.indirect_vreg.gather [hbm4b:s4+s2], $0x80, v4, vm0, $0xb8;
	[tilespmem:$0x18100] =	vst v63  }
0x88: {  	s0 =	rddreg [dreg:$0x1e]  }
0x89: {  	[tilespmem:s11], [sflag:$0x2] =	stream.indirect_vreg.gather [hbm4b:s5+s2], $0x80, v4, vm0, $0xb8;
	[tilespmem:$0x18100] =	vst v63  }
0x8a: {  	s11 =	rddreg [dreg:$0x1f]  }
0x8b: {  	[tilespmem:s0], [sflag:$0x2] =	stream.indirect_vreg.gather [hbm4b:s3+s2], $0x80, v3, vm0, $0xb8;
	[tilespmem:$0x18100] =	vst v63  }
0x8c: {  	s0 =	sld [smem:$0x7FD]  }
0x8d: {  	[tilespmem:s11], [sflag:$0x2] =	stream.indirect_vreg.gather [hbm4b:s4+s2], $0x80, v3, vm0, $0xb8;
	[tilespmem:$0x18100] =	vst v63  }
0x8e: {  	_ = 	snop  }
0x8f: {  	[tilespmem:s0], [sflag:$0x2] =	stream.indirect_vreg.gather [hbm4b:s5+s2], $0x80, v3, vm0, $0xb8;
	[tilespmem:$0x18100] =	vst v63  }
0x90: {  	v3 =	vld [tilespmem:$0x90];
	_ =	sdelay $0x4  }
0x91: {  	v61 =	vshrl.u32 v3, $0x3  }
0x92: {  	v4 =	vmul.u32 $0x30, v61  }
0x93: {  	v3 =	vand.u32 $0x7, v3  }
0x94: {  	v3 =	vor.u32 v3, v4  }
0x95: {  	v4 =	vperm.xlane v3, v0;
	_ =	sdelay $0x1  }
0x96: {  	v4 =	vadd.s32 v1, v4;
	_ =	sdelay $0x3  }
0x97: {  	s11 =	simm.s32 $0xF100;
	v3 =	vperm.xlane v3, v2  }
0x98: {  	[tilespmem:s11], [sflag:$0x2] =	stream.indirect_vreg.gather [hbm4b:s3+s2], $0x80, v4, vm0, $0xb8;
	[tilespmem:$0x18100] =	vst v63  }
0x99: {  	v3 =	vadd.s32 v1, v3  }
0x9a: {  	[tilespmem:s12], [sflag:$0x2] =	stream.indirect_vreg.gather [hbm4b:s4+s2], $0x80, v4, vm0, $0xb8;
	[tilespmem:$0x18100] =	vst v63  }
0x9b: {  	_ = 	snop  }
0x9c: {  	[tilespmem:s13], [sflag:$0x2] =	stream.indirect_vreg.gather [hbm4b:s5+s2], $0x80, v4, vm0, $0xb8;
	[tilespmem:$0x18100] =	vst v63  }
0x9d: {  	_ = 	snop  }
0x9e: {  	[tilespmem:s14], [sflag:$0x2] =	stream.indirect_vreg.gather [hbm4b:s3+s2], $0x80, v3, vm0, $0xb8;
	[tilespmem:$0x18100] =	vst v63  }
0x9f: {  	_ = 	snop  }
0xa0: {  	[tilespmem:s15], [sflag:$0x2] =	stream.indirect_vreg.gather [hbm4b:s4+s2], $0x80, v3, vm0, $0xb8;
	[tilespmem:$0x18100] =	vst v63  }
0xa1: {  	_ = 	snop  }
0xa2: {  	[tilespmem:s16], [sflag:$0x2] =	stream.indirect_vreg.gather [hbm4b:s5+s2], $0x80, v3, vm0, $0xb8;
	[tilespmem:$0x18100] =	vst v63  }
0xa3: {  	v3 =	vld [tilespmem:$0xA0];
	_ =	sdelay $0x4  }
0xa4: {  	v62 =	vshrl.u32 v3, $0x3  }
0xa5: {  	v4 =	vmul.u32 $0x30, v62  }
0xa6: {  	v3 =	vand.u32 $0x7, v3  }
0xa7: {  	v3 =	vor.u32 v3, v4  }
0xa8: {  	v4 =	vperm.xlane v3, v0;
	_ =	sdelay $0x1  }
0xa9: {  	v4 =	vadd.s32 v1, v4;
	_ =	sdelay $0x3  }
0xaa: {  	v3 =	vperm.xlane v3, v2  }
0xab: {  	[tilespmem:s17], [sflag:$0x2] =	stream.indirect_vreg.gather [hbm4b:s3+s2], $0x80, v4, vm0, $0xb8;
	[tilespmem:$0x18100] =	vst v63  }
0xac: {  	v3 =	vadd.s32 v1, v3  }
0xad: {  	[tilespmem:s18], [sflag:$0x2] =	stream.indirect_vreg.gather [hbm4b:s4+s2], $0x80, v4, vm0, $0xb8;
	[tilespmem:$0x18100] =	vst v63  }
0xae: {  	_ = 	snop  }
0xaf: {  	[tilespmem:s19], [sflag:$0x2] =	stream.indirect_vreg.gather [hbm4b:s5+s2], $0x80, v4, vm0, $0xb8;
	[tilespmem:$0x18100] =	vst v63  }
0xb0: {  	_ = 	snop  }
0xb1: {  	[tilespmem:s20], [sflag:$0x2] =	stream.indirect_vreg.gather [hbm4b:s3+s2], $0x80, v3, vm0, $0xb8;
	[tilespmem:$0x18100] =	vst v63  }
0xb2: {  	_ = 	snop  }
0xb3: {  	[tilespmem:s21], [sflag:$0x2] =	stream.indirect_vreg.gather [hbm4b:s4+s2], $0x80, v3, vm0, $0xb8;
	[tilespmem:$0x18100] =	vst v63  }
0xb4: {  	_ = 	snop  }
0xb5: {  	[tilespmem:s22], [sflag:$0x2] =	stream.indirect_vreg.gather [hbm4b:s5+s2], $0x80, v3, vm0, $0xb8;
	[tilespmem:$0x18100] =	vst v63  }
0xb6: {  	v3 =	vld [tilespmem:$0xB0];
	_ =	sdelay $0x4  }
0xb7: {  	v63 =	vshrl.u32 v3, $0x3  }
0xb8: {  	v4 =	vmul.u32 $0x30, v63  }
0xb9: {  	v3 =	vand.u32 $0x7, v3  }
0xba: {  	v3 =	vor.u32 v3, v4  }
0xbb: {  	v4 =	vperm.xlane v3, v0;
	_ =	sdelay $0x1  }
0xbc: {  	v4 =	vadd.s32 v1, v4;
	_ =	sdelay $0x3  }
0xbd: {  	v3 =	vperm.xlane v3, v2  }
0xbe: {  	[tilespmem:s23], [sflag:$0x2] =	stream.indirect_vreg.gather [hbm4b:s3+s2], $0x80, v4, vm0, $0xb8;
	[tilespmem:$0x18100] =	vst v63  }
0xbf: {  	v3 =	vadd.s32 v1, v3  }
0xc0: {  	[tilespmem:s24], [sflag:$0x2] =	stream.indirect_vreg.gather [hbm4b:s4+s2], $0x80, v4, vm0, $0xb8;
	[tilespmem:$0x18100] =	vst v63  }
0xc1: {  	_ = 	snop  }
0xc2: {  	[tilespmem:s25], [sflag:$0x2] =	stream.indirect_vreg.gather [hbm4b:s5+s2], $0x80, v4, vm0, $0xb8;
	[tilespmem:$0x18100] =	vst v63  }
0xc3: {  	_ = 	snop  }
0xc4: {  	[tilespmem:s26], [sflag:$0x2] =	stream.indirect_vreg.gather [hbm4b:s3+s2], $0x80, v3, vm0, $0xb8;
	[tilespmem:$0x18100] =	vst v63  }
0xc5: {  	_ = 	snop  }
0xc6: {  	[tilespmem:s28], [sflag:$0x2] =	stream.indirect_vreg.gather [hbm4b:s4+s2], $0x80, v3, vm0, $0xb8;
	[tilespmem:$0x18100] =	vst v63  }
0xc7: {  	_ = 	snop  }
0xc8: {  	[tilespmem:s29], [sflag:$0x2] =	stream.indirect_vreg.gather [hbm4b:s5+s2], $0x80, v3, vm0, $0xb8;
	[tilespmem:$0x18100] =	vst v63  }
0xc9: {  	_ =	swait.ge [sflag:s30], $0xC000  }
0xca: {  	[sflag:s30] =	ssyncset.done $0x0  }
0xcb: {  	s11 =	rddreg [dreg:$0x4];
	[sflag:s30] =	ssyncadd.s32 $0xFFFF4000  }
0xcc: {  	[hbm4b:s11+s2] =	stream.linear.scatter [tilespmem:s10], [sflag:$0x4], $0xC000, $0x38;
	[tilespmem:$0x18100] =	vst v63  }
0xcd: {  	p0 =	sne.s32 s6, $0x1;
	_ =	swait.ge [sflag:s31], $0xC000  }
.Ltmp0:
0xce: {  	[sflag:s31] =	ssyncset.done $0x0;
	(pc) =	sbr.rel @p0 .LBB2_1-.Ltmp0, $4  }
0xcf: {  	[sflag:s31] =	ssyncadd.s32 $0xFFFF4000  }
0xd0: {  	_ =	swait.ge [sflag:s1], $0xC000  }
0xd1: {  	[sflag:s1] =	ssyncset.done $0x0  }
0xd2: {  	s6 =	sadd.s32 $0xFFFFFFFF, s6;
	[sflag:s1] =	ssyncadd.s32 $0xFFFF4000  }
0xd3: {  	_ =	sfence.sel $0x180000  }
0xd4: {  	[bflag:$0x0] =	sbarrier.arrive $0xFFFF  }
0xd5: {  	_ =	strace $0x9000004D  }
0xd6: {  	s0 =	stileid.u32;
	[bflag:$0x2] =	sbarrier.arrive $0xFFFF  }
0xd7: {  	p0 =	sne.s32 s0, $0x0;
	s0 =	rddreg [dreg:$0x1]  }
0xd8: {  	s0 =	sadd.s32 @!p0 $0x100000, s0  }
0xd9: {  	[sflag:s0] =	ssyncadd.tile.s32 @!p0 $0x1;
	_ =	shalt  }
.Lfunc_end2:
_tile_overlayer_lowered:
.L_overlay_start_2:
0xda: {  	(tag) =	ssettag $0x2  }
0xdb: {  	s0 =	rddreg [dreg:$0x0];
	s2 =	stileid.u32  }
0xdc: {  	s1 =	rddreg [dreg:$0x1];
	p0 =	sne.s32 s2, $0x0  }
0xdd: {  	s3 =	rddreg [dreg:$0x2];
	[bflag:$0x3] =	sbarrier.arrive $0xFFFF;
	s2 =	simm.s32 @!p0 $0x1C05  }
0xde: {  	[timem:s3], [sflag:s2] =	dma.local @!p0 [hbm:s0], s1  }
0xdf: {  	s0 =	simm.s32 @!p0 $0x5  }
0xe0: {  	_ =	swait.ge @!p0 [sflag:s0], s1  }
0xe1: {  	s1 =	ssub.s32 @!p0 $0x0, s1;
	[sflag:s0] =	ssyncset.done @!p0 $0x0  }
0xe2: {  	[sflag:s0] =	ssyncadd.s32 @!p0 s1  }
0xe3: {  	[bflag:$0x3] =	sbarrier.arrive $0xFFFF  }
0xe4: {  	_ =	shalt  }

// kernel: kernel.9.cloned.1.call-start
scs
__scs_entry_jumppad:
0x0: {  	(pc) =	sbr.rel $0x88, $3  }
0x1: {  	(tag) =	ssettag $0x0;
	lr =	simm.s32 $0x1  }
0x2: {  	[smem:$0x3F99] =	sst lr;
	_ =	strace $0xD0000000  }
0x3: {  	_ = 	snop  }
0x4: {  	_ = 	snop  }
0x5: {  	_ = 	snop  }
0x6: {  	_ = 	snop  }
0x7: {  	_ = 	snop  }
__scs_overlays_trampoline_lowered:
0x8: {  	[smem:$0x3FA8] =	sst s0  }
0x9: {  	[smem:$0x3FA9] =	sst s1  }
0xa: {  	[smem:$0x3FAA] =	sst s2  }
0xb: {  	[smem:$0x3FAB] =	sst s3  }
0xc: {  	[smem:$0x3FAC] =	sst s4  }
0xd: {  	[smem:$0x3FAD] =	sst s5  }
0xe: {  	[smem:$0x3FAE] =	sst s6  }
0xf: {  	[smem:$0x3FAF] =	sst s7  }
0x10: {  	[smem:$0x3FB0] =	sst s8  }
0x11: {  	[smem:$0x3FB1] =	sst s9;
	s0 =	simm.s32 @!p0 $0x0  }
0x12: {  	s1 =	sld [smem:$0x3F97];
	s0 =	simm.s32 @p0 $0x1  }
0x13: {  	[smem:$0x3FB2] =	sst s0;
	s0 =	simm.s32 @!p1 $0x0  }
0x14: {  	s2 =	sld [smem:$0x3F96];
	s0 =	simm.s32 @p1 $0x1  }
0x15: {  	[smem:$0x3FB3] =	sst s0;
	s0 =	simm.s32 @!p2 $0x0  }
0x16: {  	s3 =	sld [smem:$0x3FDB];
	s0 =	simm.s32 @p2 $0x1  }
0x17: {  	s4 =	simm.s32 $0x1BF5;
	[smem:$0x3FB5] =	sst s0  }
0x18: {  	s0 =	sld [smem:$0x3F98];
	_ =	swait.ge [sflag:s4], $0x0  }
0x19: {  	s7 =	sld [smem:$0x3F99]  }
0x1a: {  	s8 =	sadd.s32 $0xFFFFE003, lr  }
0x1b: {  	s9 =	sadd.s32 $0xFFFFFEF7, lr;
	s5 =	simm.s32 $0xFFFFFFFF;
	p2 =	slt.u32 s8, $0xFFFFF086  }
0x1c: {  	p1 =	slt.u32 s9, $0xF7A;
	s5 =	simm.s32 @!p2 $0x0  }
0x1d: {  	s5 =	simm.s32 @p1 $0x1;
	p0 =	seq.s32 s7, s2  }
0x1e: {  	s7 =	smul.u32 @!p0 $0xF7A, s2;
	p2 =	seq.s32 @!p0 s5, $0x0  }
0x1f: {  	s9 =	smul.u32 $0xF7A, s1;
	s8 =	simm.s32 @!p0 $0x1BF5;
	p2 =	por !p2, p0  }
0x20: {  	[sflag:s8] =	ssyncset.s32 @!p0 $0xFFFFF086;
	s6 =	sadd.s32 @!p0 s3, s7;
	s7 =	simm.s32 @!p0 $0x108  }
0x21: {  	s3 =	sadd.s32 s3, s9;
	s6 =	sadd.s32 @!p0 $0x88, s6;
	s7 =	simm.s32 @p2 $0x1082  }
0x22: {  	[simem:s7], [sflag:s8] =	dma.local @!p0 [hbm:s6], $0xF7A  }
0x23: {  	s9 =	sor.u32 $0xD0000000, s2;
	s6 =	simm.s32 $0x108;
	_ =	swait.ge @!p0 [sflag:s8], $0x0  }
0x24: {  	s3 =	sadd.s32 $0x88, s3;
	s6 =	simm.s32 @!p1 $0x1082;
	[sflag:s4] =	ssyncset.s32 $0xFFFFF086  }
0x25: {  	[simem:s6], [sflag:s4] =	dma.local [hbm:s3], $0xF7A  }
0x26: {  	[smem:$0x3F99] =	sst s1;
	(tag) =	ssettag s2;
	_ =	strace s9  }
0x27: {  	s1 =	sld [smem:$0x3FA9]  }
0x28: {  	s2 =	sld [smem:$0x3FAA]  }
0x29: {  	s4 =	sld [smem:$0x3FAC]  }
0x2a: {  	p0 =	seq.s32 s5, $0x0;
	s5 =	sld [smem:$0x3FAD]  }
0x2b: {  	s6 =	sld [smem:$0x3FAE]  }
0x2c: {  	s7 =	sld [smem:$0x3FAF]  }
0x2d: {  	s3 =	simm.s32 $0x108;
	s8 =	sld [smem:$0x3FB0]  }
0x2e: {  	s3 =	simm.s32 @!p0 $0x1082;
	s9 =	sld [smem:$0x3FB1]  }
0x2f: {  	lr =	sadd.s32 s0, s3;
	s0 =	sld [smem:$0x3FA8]  }
0x30: {  	s3 =	sld [smem:$0x3FAB]  }
0x31: {  	[smem:$0x3FB4] =	sst s10  }
0x32: {  	s10 =	sld [smem:$0x3FB2];
	_ =	sdelay $0x3  }
0x33: {  	p0 =	seq.s32 s10, $0x1;
	s10 =	sld [smem:$0x3FB4];
	_ =	sdelay $0x3  }
0x34: {  	[smem:$0x3FB4] =	sst s10  }
0x35: {  	s10 =	sld [smem:$0x3FB3];
	_ =	sdelay $0x3  }
0x36: {  	p1 =	seq.s32 s10, $0x1;
	s10 =	sld [smem:$0x3FB4];
	_ =	sdelay $0x3  }
0x37: {  	[smem:$0x3FB4] =	sst s10  }
0x38: {  	s10 =	sld [smem:$0x3FB5]  }
0x39: {  	_ = 	snop;
	(pc) =	sbr.ind lr, $3  }
0x3a: {  	_ = 	snop  }
0x3b: {  	_ = 	snop  }
0x3c: {  	p2 =	seq.s32 s10, $0x1;
	s10 =	sld [smem:$0x3FB4]  }
0x3d: {  	_ =	shalt  }
0x3e: {  	_ =	shalt  }
0x3f: {  	_ =	shalt  }
0x40: {  	_ =	shalt  }
0x41: {  	_ =	shalt  }
0x42: {  	_ =	shalt  }
0x43: {  	_ =	shalt  }
0x44: {  	_ =	shalt  }
0x45: {  	_ =	shalt  }
0x46: {  	_ =	shalt  }
0x47: {  	_ =	shalt  }
0x48: {  	_ =	shalt  }
0x49: {  	_ =	shalt  }
0x4a: {  	_ =	shalt  }
0x4b: {  	_ =	shalt  }
0x4c: {  	_ =	shalt  }
0x4d: {  	_ =	shalt  }
0x4e: {  	_ =	shalt  }
0x4f: {  	_ =	shalt  }
0x50: {  	_ =	shalt  }
0x51: {  	_ =	shalt  }
0x52: {  	_ =	shalt  }
0x53: {  	_ =	shalt  }
0x54: {  	_ =	shalt  }
0x55: {  	_ =	shalt  }
0x56: {  	_ =	shalt  }
0x57: {  	_ =	shalt  }
0x58: {  	_ =	shalt  }
0x59: {  	_ =	shalt  }
0x5a: {  	_ =	shalt  }
0x5b: {  	_ =	shalt  }
0x5c: {  	_ =	shalt  }
0x5d: {  	_ =	shalt  }
0x5e: {  	_ =	shalt  }
0x5f: {  	_ =	shalt  }
0x60: {  	_ =	shalt  }
0x61: {  	_ =	shalt  }
0x62: {  	_ =	shalt  }
0x63: {  	_ =	shalt  }
0x64: {  	_ =	shalt  }
0x65: {  	_ =	shalt  }
0x66: {  	_ =	shalt  }
0x67: {  	_ =	shalt  }
0x68: {  	_ =	shalt  }
0x69: {  	_ =	shalt  }
0x6a: {  	_ =	shalt  }
0x6b: {  	_ =	shalt  }
0x6c: {  	_ =	shalt  }
0x6d: {  	_ =	shalt  }
0x6e: {  	_ =	shalt  }
0x6f: {  	_ =	shalt  }
0x70: {  	_ =	shalt  }
0x71: {  	_ =	shalt  }
0x72: {  	_ =	shalt  }
0x73: {  	_ =	shalt  }
0x74: {  	_ =	shalt  }
0x75: {  	_ =	shalt  }
0x76: {  	_ =	shalt  }
0x77: {  	_ =	shalt  }
0x78: {  	_ =	shalt  }
0x79: {  	_ =	shalt  }
0x7a: {  	_ =	shalt  }
0x7b: {  	_ =	shalt  }
0x7c: {  	_ =	shalt  }
0x7d: {  	_ =	shalt  }
0x7e: {  	_ =	shalt  }
0x7f: {  	_ =	shalt  }
0x80: {  	_ =	shalt  }
0x81: {  	_ =	shalt  }
0x82: {  	_ =	shalt  }
0x83: {  	_ =	shalt  }
0x84: {  	_ =	shalt  }
0x85: {  	_ =	shalt  }
0x86: {  	_ =	shalt  }
0x87: {  	_ =	shalt  }
.Lfunc_end0:
.L_simem_size_0:
called_computation_lowered:
.L_overlay_start_0:
0x88: {  	s2 =	sld [smem:$0x3FD9]  }
0x89: {  	s3 =	sld [smem:$0x3FFE];
	_ =	sdelay $0x1  }
0x8a: {  	s1 =	srdreg.scid  }
0x8b: {  	s0 =	sand.u32 $0x1, s1  }
0x8c: {  	s14 =	sshll.u32 s0, $0xA;
	s2 =	sadd.s32 s3, s2  }
0x8d: {  	s2 =	sadd.s32 s2, s14  }
0x8e: {  	[smem:$0x3FC0] =	sst s2  }
0x8f: {  	_ = 	snop  }
0x90: {  	s2 =	sld [smem:$0x3FD0];
	_ =	sdelay $0x2  }
0x91: {  	s4 =	simm.s32 $0xB;
	s5 =	simm.s32 $0x10;
	s15 =	sld [smem:$0x3FC9]  }
0x92: {  	[smem:s5], [sflag:s4] =	dma.local [hbm:s2], $0x1  }
0x93: {  	_ =	swait.eq [sflag:s4], $0x1  }
0x94: {  	[sflag:s4] =	ssyncset.done $0x0  }
0x95: {  	[sflag:s4] =	ssyncadd.s32 $0xFFFFFFFF  }
0x96: {  	s16 =	sld [smem:$0x10];
	(tm) =	ssettm $0x1  }
0x97: {  	s17 =	sld [smem:$0x3FFB];
	_ =	sdelay $0x3  }
0x98: {  	_ =	strace s17  }
0x99: {  	s4 =	sld [smem:$0x3FFC];
	_ =	sdelay $0x3  }
0x9a: {  	_ =	strace s4  }
0x9b: {  	s4 =	sld [smem:$0x3FFD];
	_ =	sdelay $0x3  }
0x9c: {  	_ =	strace s4  }
0x9d: {  	_ =	strace $0x8FFFFFFF  }
0x9e: {  	s18 =	sld [smem:$0x3FDB];
	_ =	sdelay $0x1  }
0x9f: {  	s19 =	simm.s32 $_scs_section_size  }
0xa0: {  	s6 =	simm.s32 $_size__tile_overlayer_lowered;
	s7 =	simm.s32 $_tile_overlayer_lowered  }
0xa1: {  	s22 =	simm.s32 $0x1BFF;
	s21 =	sshll.u32 s7, $0x1;
	s4 =	sadd.s32 s19, s18  }
0xa2: {  	s8 =	simm.s32 $0x0;
	s20 =	sshll.u32 s6, $0x1;
	s6 =	sadd.s32 s21, s4  }
0xa3: {  	[timem:s8], [sflag:s22] =	dma.local [hbm:s6], s20  }
0xa4: {  	_ =	swait.ge [sflag:s22], s20  }
0xa5: {  	s5 =	ssub.s32 $0x0, s20;
	[sflag:s22] =	ssyncset.done $0x0  }
0xa6: {  	[sflag:s22] =	ssyncadd.s32 s5;
	_ =	sdelay $0x1  }
0xa7: {  	s23 =	simm.s32 $0x1B8B  }
0xa8: {  	_ =	swait.ge [sflag:s23], $0x1  }
0xa9: {  	[sflag:s23] =	ssyncset.done $0x0  }
0xaa: {  	s25 =	simm.s32 $0x1B8E;
	s24 =	sld [smem:$0x3FFE];
	[sflag:s23] =	ssyncadd.s32 $0xFFFFFFFF  }
0xab: {  	s26 =	simm.s32 $execute0_lowered;
	[smem:$0x3FD2] =	sst s25  }
0xac: {  	s6 =	sshll.u32 s26, $0x1;
	_ =	strace $0x80000046;
	[dreg:$0x1] =	wrdreg $0xFFFFFFFF  }
0xad: {  	s28 =	simm.s32 $_size_execute0_lowered;
	s4 =	sadd.s32 s4, s6;
	[dreg:$0x0] =	wrdreg $0x0  }
0xae: {  	s6 =	sshll.u32 s28, $0x1;
	[dreg:$0x2] =	wrdreg s4  }
0xaf: {  	[dreg:$0x3] =	wrdreg s6  }
0xb0: {  	[dreg:$0x4] =	wrdreg $0xC0  }
0xb1: {  	_ =	task [dreg:s8], $0x5FFFF  }
0xb2: {  	[dreg:$0x1] =	wrdreg $0xFFFFFFFF  }
0xb3: {  	[dreg:$0x0] =	wrdreg $0x60  }
0xb4: {  	[dreg:$0x2] =	wrdreg s15  }
0xb5: {  	[dreg:$0x3] =	wrdreg s16  }
0xb6: {  	[dreg:$0x4] =	wrdreg s24  }
0xb7: {  	[dreg:$0x5] =	wrdreg $0x9  }
0xb8: {  	_ =	task.clear_ibuf [dreg:s8], $0x6FFFF;
	_ =	strace $0x90000046  }
0xb9: {  	s29 =	simm.s32 $0x9;
	_ =	strace $0x80000048  }
0xba: {  	_ =	swait.ge [sflag:s29], $0x1  }
0xbb: {  	[sflag:s29] =	ssyncadd.s32 $0xFFFFFFFF  }
0xbc: {  	_ =	strace $0x90000048  }
0xbd: {  	_ =	sfence  }
0xbe: {  	s30 =	sld [smem:$0x0];
	_ =	sdelay $0x2  }
0xbf: {  	s31 =	sshll.u32 s1, $0xD;
	s1 =	sshrl.u32 s1, $0x2  }
0xc0: {  	s3 =	sand.u32 $0x4000, s31;
	s1 =	sadd.s32 s1, s30  }
0xc1: {  	s0 =	sor.u32 s3, s0;
	s1 =	sshll.u32 s1, $0x11  }
0xc2: {  	s0 =	sor.u32 s1, s0  }
0xc3: {  	s0 =	sadd.s32 $0x8F2B, s0  }
0xc4: {  	[sflag:s0] =	ssyncadd.remote.s32 $0x1  }
0xc5: {  	_ =	sfence.sel $0xFFFF  }
0xc6: {  	[dreg:$0x0] =	wrdreg $0xFFFFFFFF;
	(pc) =	sbr.abs _section_cstart, $3  }
0xc7: {  	[dreg:$0x1] =	wrdreg $0xFFFFFFFF  }
0xc8: {  	_ =	task.clear_ibuf [dreg:s8], $0x2FFFF;
	_ =	strace $0x9FFFFFFF  }
0xc9: {  	(tm) =	ssettm $0x7FFFFFFF  }
tec
execute0_lowered:
.L_overlay_start_1:
0x0: {  	(tag) =	ssettag $0x1  }
0x1: {  	s0 =	rddreg [dreg:$0x0]  }
0x2: {  	s1 =	rddreg [dreg:$0x1]  }
0x3: {  	s2 =	srdreg.scid;
	s3 =	stileid.u32  }
0x4: {  	s4 =	rddreg [dreg:$0x2];
	s16 =	simm.s32 $0x4;
	s12 =	simm.s32 $0x1  }
0x5: {  	s18 =	simm.s32 $0xA00;
	s19 =	simm.s32 $0x1200;
	s20 =	simm.s32 $0x1A00  }
0x6: {  	s21 =	simm.s32 $0x2200;
	s28 =	simm.s32 $0x5200;
	s29 =	simm.s32 $0x5A00  }
0x7: {  	s30 =	simm.s32 $0x6200;
	s31 =	simm.s32 $0x6A00;
	s13 =	simm.s32 $0x8A00  }
0x8: {  	s14 =	simm.s32 $0x9200;
	s9 =	simm.s32 $0xA200;
	s10 =	simm.s32 $0xAA00  }
0x9: {  	s5 =	sand.u32 $0x1, s2;
	s3 =	sshll.u32 s3, $0x1;
	s2 =	simm.s32 $0x0  }
0xa: {  	s15 =	simm.s32 $0x2;
	s6 =	sor.u32 s5, s3;
	[smem:$0x7FF] =	sst s2  }
0xb: {  	s3 =	sadd.s32 $0x1800, s4;
	s5 =	ssub.s32 $0x2, s5;
	s7 =	smul.u32 $0x6000, s6  }
0xc: {  	s8 =	smul.u32 $0x30000, s6;
	s6 =	sshll.u32 s6, $0x6;
	s24 =	sshrl.u32 s5, $0x1  }
0xd: {  	_ =	strace $0x80000047;
	s1 =	sadd.s32 s1, s6;
	s26 =	ssub.s32 s5, s24  }
0xe: {  	s5 =	sadd.s32 $0x1900, s4;
	s6 =	sadd.s32 $0x1A00, s4;
	s4 =	simm.s32 $0x3  }
0xf: {  	s24 =	simm.s32 $0x3A00;
	s7 =	sadd.s32 s0, s7;
	[dreg:$0x4] =	wrdreg s1  }
0x10: {  	s22 =	sshrl.u32 s8, $0x3;
	s1 =	simm.s32 $0xBA00;
	[dreg:$0x8] =	wrdreg s7  }
0x11: {  	s23 =	sadd.s32 $0x1800, s7;
	s0 =	sadd.s32 s0, s22;
	s7 =	smax.u32 s26, $0x1  }
0x12: {  	v2 =	vlaneseq.u32;
	s22 =	simm.s32 $0x2A00;
	[dreg:$0x5] =	wrdreg s23;
	s25 =	sadd.s32 $0x3000, s0  }
0x13: {  	vm0 =	vmmov $0xffff;
	v1 =	vshrl.u32 v2, $0x3;
	s26 =	simm.s32 $0x4A00;
	s0 =	sadd.s32 $0x4800, s0;
	[dreg:$0x6] =	wrdreg s25  }
0x14: {  	v0 =	vand.u32 $0x7, v2;
	v2 =	vor.u32 $0x8, v2;
	v1 =	vmul.u32 $0x8, v1;
	s23 =	simm.s32 $0x3200;
	[dreg:$0x7] =	wrdreg s0;
	s25 =	simm.s32 $0x4200  }
.LBB2_1:
0x15: {  	s17 =	rddreg [dreg:$0x4];
	s0 =	simm.s32 $0x5  }
0x16: {  	[tilespmem:s2], [sflag:$0x5] =	stream.linear.gather [hbm4b:s17+s2], $0x200, $0x38;
	[tilespmem:$0x18200] =	vst v63  }
0x17: {  	_ =	swait.ge [sflag:s0], $0x200  }
0x18: {  	[sflag:s0] =	ssyncset.done $0x0  }
0x19: {  	s11 =	simm.s32 $0x200;
	[sflag:s0] =	ssyncadd.s32 $0xFFFFFE00;
	s0 =	rddreg [dreg:$0x8]  }
0x1a: {  	[tilespmem:s11], [sflag:$0x1] =	stream.linear.gather [hbm4b:s0+s2], $0xC000, $0x38;
	[tilespmem:$0x18200] =	vst v63  }
0x1b: {  	_ =	swait.ge [sflag:s12], $0xC000  }
0x1c: {  	[sflag:s12] =	ssyncset.done $0x0  }
0x1d: {  	[sflag:s12] =	ssyncadd.s32 $0xFFFF4000  }
0x1e: {  	v3 =	vld [tilespmem:$0x0];
	_ =	sdelay $0x4  }
0x1f: {  	v4 =	vshrl.u32 v3, $0x3  }
0x20: {  	v4 =	vmul.u32 $0x30, v4  }
0x21: {  	v3 =	vand.u32 $0x7, v3  }
0x22: {  	v3 =	vor.u32 v3, v4  }
0x23: {  	v4 =	vperm.xlane v3, v0;
	_ =	sdelay $0x1  }
0x24: {  	v4 =	vadd.s32 v1, v4;
	_ =	sdelay $0x3  }
0x25: {  	v3 =	vperm.xlane v3, v2  }
0x26: {  	[hbm4b:s3+s2] =	stream.indirect_vreg.scatter [tilespmem:s11], [sflag:$0x3], $0x80, v4, vm0, $0xb8;
	[tilespmem:$0x18200] =	vst v63  }
0x27: {  	v3 =	vadd.s32 v1, v3  }
0x28: {  	[hbm4b:s5+s2] =	stream.indirect_vreg.scatter [tilespmem:s18], [sflag:$0x3], $0x80, v4, vm0, $0xb8;
	[tilespmem:$0x18200] =	vst v63  }
0x29: {  	_ = 	snop  }
0x2a: {  	[hbm4b:s6+s2] =	stream.indirect_vreg.scatter [tilespmem:s19], [sflag:$0x3], $0x80, v4, vm0, $0xb8;
	[tilespmem:$0x18200] =	vst v63  }
0x2b: {  	_ = 	snop  }
0x2c: {  	[hbm4b:s3+s2] =	stream.indirect_vreg.scatter [tilespmem:s20], [sflag:$0x3], $0x80, v3, vm0, $0xb8;
	[tilespmem:$0x18200] =	vst v63  }
0x2d: {  	_ = 	snop  }
0x2e: {  	[hbm4b:s5+s2] =	stream.indirect_vreg.scatter [tilespmem:s21], [sflag:$0x3], $0x80, v3, vm0, $0xb8;
	[tilespmem:$0x18200] =	vst v63  }
0x2f: {  	_ = 	snop  }
0x30: {  	[hbm4b:s6+s2] =	stream.indirect_vreg.scatter [tilespmem:s22], [sflag:$0x3], $0x80, v3, vm0, $0xb8;
	[tilespmem:$0x18200] =	vst v63  }
0x31: {  	v3 =	vld [tilespmem:$0x10];
	_ =	sdelay $0x4  }
0x32: {  	v49 =	vshrl.u32 v3, $0x3  }
0x33: {  	v4 =	vmul.u32 $0x30, v49  }
0x34: {  	v3 =	vand.u32 $0x7, v3  }
0x35: {  	v3 =	vor.u32 v3, v4  }
0x36: {  	v4 =	vperm.xlane v3, v0;
	_ =	sdelay $0x1  }
0x37: {  	v4 =	vadd.s32 v1, v4;
	_ =	sdelay $0x3  }
0x38: {  	v3 =	vperm.xlane v3, v2  }
0x39: {  	[hbm4b:s3+s2] =	stream.indirect_vreg.scatter [tilespmem:s23], [sflag:$0x3], $0x80, v4, vm0, $0xb8;
	[tilespmem:$0x18200] =	vst v63  }
0x3a: {  	v3 =	vadd.s32 v1, v3  }
0x3b: {  	[hbm4b:s5+s2] =	stream.indirect_vreg.scatter [tilespmem:s24], [sflag:$0x3], $0x80, v4, vm0, $0xb8;
	[tilespmem:$0x18200] =	vst v63  }
0x3c: {  	_ = 	snop  }
0x3d: {  	[hbm4b:s6+s2] =	stream.indirect_vreg.scatter [tilespmem:s25], [sflag:$0x3], $0x80, v4, vm0, $0xb8;
	[tilespmem:$0x18200] =	vst v63  }
0x3e: {  	_ = 	snop  }
0x3f: {  	[hbm4b:s3+s2] =	stream.indirect_vreg.scatter [tilespmem:s26], [sflag:$0x3], $0x80, v3, vm0, $0xb8;
	[tilespmem:$0x18200] =	vst v63  }
0x40: {  	_ = 	snop  }
0x41: {  	[hbm4b:s5+s2] =	stream.indirect_vreg.scatter [tilespmem:s28], [sflag:$0x3], $0x80, v3, vm0, $0xb8;
	[tilespmem:$0x18200] =	vst v63  }
0x42: {  	_ = 	snop  }
0x43: {  	[hbm4b:s6+s2] =	stream.indirect_vreg.scatter [tilespmem:s29], [sflag:$0x3], $0x80, v3, vm0, $0xb8;
	[tilespmem:$0x18200] =	vst v63  }
0x44: {  	v3 =	vld [tilespmem:$0x20];
	_ =	sdelay $0x4  }
0x45: {  	v50 =	vshrl.u32 v3, $0x3  }
0x46: {  	v4 =	vmul.u32 $0x30, v50  }
0x47: {  	v3 =	vand.u32 $0x7, v3  }
0x48: {  	v3 =	vor.u32 v3, v4  }
0x49: {  	v4 =	vperm.xlane v3, v0;
	_ =	sdelay $0x1  }
0x4a: {  	v4 =	vadd.s32 v1, v4;
	_ =	sdelay $0x3  }
0x4b: {  	v3 =	vperm.xlane v3, v2  }
0x4c: {  	[hbm4b:s3+s2] =	stream.indirect_vreg.scatter [tilespmem:s30], [sflag:$0x3], $0x80, v4, vm0, $0xb8;
	[tilespmem:$0x18200] =	vst v63  }
0x4d: {  	v3 =	vadd.s32 v1, v3  }
0x4e: {  	[hbm4b:s5+s2] =	stream.indirect_vreg.scatter [tilespmem:s31], [sflag:$0x3], $0x80, v4, vm0, $0xb8;
	[tilespmem:$0x18200] =	vst v63  }
0x4f: {  	s8 =	simm.s32 $0x7200  }
0x50: {  	[hbm4b:s6+s2] =	stream.indirect_vreg.scatter [tilespmem:s8], [sflag:$0x3], $0x80, v4, vm0, $0xb8;
	[tilespmem:$0x18200] =	vst v63  }
0x51: {  	s17 =	simm.s32 $0x7A00  }
0x52: {  	[hbm4b:s3+s2] =	stream.indirect_vreg.scatter [tilespmem:s17], [sflag:$0x3], $0x80, v3, vm0, $0xb8;
	[tilespmem:$0x18200] =	vst v63  }
0x53: {  	s8 =	simm.s32 $0x8200  }
0x54: {  	[hbm4b:s5+s2] =	stream.indirect_vreg.scatter [tilespmem:s8], [sflag:$0x3], $0x80, v3, vm0, $0xb8;
	[tilespmem:$0x18200] =	vst v63  }
0x55: {  	_ = 	snop  }
0x56: {  	[hbm4b:s6+s2] =	stream.indirect_vreg.scatter [tilespmem:s13], [sflag:$0x3], $0x80, v3, vm0, $0xb8;
	[tilespmem:$0x18200] =	vst v63  }
0x57: {  	v3 =	vld [tilespmem:$0x30];
	_ =	sdelay $0x4  }
0x58: {  	v51 =	vshrl.u32 v3, $0x3  }
0x59: {  	v4 =	vmul.u32 $0x30, v51  }
0x5a: {  	v3 =	vand.u32 $0x7, v3  }
0x5b: {  	v3 =	vor.u32 v3, v4  }
0x5c: {  	v4 =	vperm.xlane v3, v0;
	_ =	sdelay $0x1  }
0x5d: {  	v4 =	vadd.s32 v1, v4;
	_ =	sdelay $0x3  }
0x5e: {  	v3 =	vperm.xlane v3, v2  }
0x5f: {  	[hbm4b:s3+s2] =	stream.indirect_vreg.scatter [tilespmem:s14], [sflag:$0x3], $0x80, v4, vm0, $0xb8;
	[tilespmem:$0x18200] =	vst v63  }
0x60: {  	s8 =	simm.s32 $0x9A00;
	v3 =	vadd.s32 v1, v3  }
0x61: {  	[hbm4b:s5+s2] =	stream.indirect_vreg.scatter [tilespmem:s8], [sflag:$0x3], $0x80, v4, vm0, $0xb8;
	[tilespmem:$0x18200] =	vst v63  }
0x62: {  	_ = 	snop  }
0x63: {  	[hbm4b:s6+s2] =	stream.indirect_vreg.scatter [tilespmem:s9], [sflag:$0x3], $0x80, v4, vm0, $0xb8;
	[tilespmem:$0x18200] =	vst v63  }
0x64: {  	_ = 	snop  }
0x65: {  	[hbm4b:s3+s2] =	stream.indirect_vreg.scatter [tilespmem:s10], [sflag:$0x3], $0x80, v3, vm0, $0xb8;
	[tilespmem:$0x18200] =	vst v63  }
0x66: {  	s17 =	simm.s32 $0xB200  }
0x67: {  	[hbm4b:s5+s2] =	stream.indirect_vreg.scatter [tilespmem:s17], [sflag:$0x3], $0x80, v3, vm0, $0xb8;
	[tilespmem:$0x18200] =	vst v63  }
0x68: {  	_ = 	snop  }
0x69: {  	[hbm4b:s6+s2] =	stream.indirect_vreg.scatter [tilespmem:s1], [sflag:$0x3], $0x80, v3, vm0, $0xb8;
	[tilespmem:$0x18200] =	vst v63  }
0x6a: {  	s0 =	simm.s32 $0xC200;
	s17 =	rddreg [dreg:$0x5]  }
0x6b: {  	[tilespmem:s0], [sflag:$0x2] =	stream.linear.gather [hbm4b:s17+s2], $0xC000, $0x38;
	[tilespmem:$0x18200] =	vst v63  }
0x6c: {  	_ =	swait.ge [sflag:s15], $0xC000  }
0x6d: {  	[sflag:s15] =	ssyncset.done $0x0  }
0x6e: {  	[sflag:s15] =	ssyncadd.s32 $0xFFFF4000  }
0x6f: {  	v3 =	vld [tilespmem:$0x80];
	_ =	sdelay $0x4  }
0x70: {  	v52 =	vshrl.u32 v3, $0x3  }
0x71: {  	v4 =	vmul.u32 $0x30, v52  }
0x72: {  	v3 =	vand.u32 $0x7, v3  }
0x73: {  	v3 =	vor.u32 v3, v4  }
0x74: {  	v4 =	vperm.xlane v3, v0;
	_ =	sdelay $0x1  }
0x75: {  	v4 =	vadd.s32 v1, v4;
	_ =	sdelay $0x3  }
0x76: {  	v3 =	vperm.xlane v3, v2  }
0x77: {  	[hbm4b:s3+s2] =	stream.indirect_vreg.scatter [tilespmem:s0], [sflag:$0x4], $0x80, v4, vm0, $0xb8;
	[tilespmem:$0x18200] =	vst v63  }
0x78: {  	s17 =	simm.s32 $0xCA00;
	v3 =	vadd.s32 v1, v3  }
0x79: {  	[hbm4b:s5+s2] =	stream.indirect_vreg.scatter [tilespmem:s17], [sflag:$0x4], $0x80, v4, vm0, $0xb8;
	[tilespmem:$0x18200] =	vst v63  }
0x7a: {  	s17 =	simm.s32 $0xD200  }
0x7b: {  	[hbm4b:s6+s2] =	stream.indirect_vreg.scatter [tilespmem:s17], [sflag:$0x4], $0x80, v4, vm0, $0xb8;
	[tilespmem:$0x18200] =	vst v63  }
0x7c: {  	s17 =	simm.s32 $0xDA00  }
0x7d: {  	[hbm4b:s3+s2] =	stream.indirect_vreg.scatter [tilespmem:s17], [sflag:$0x4], $0x80, v3, vm0, $0xb8;
	[tilespmem:$0x18200] =	vst v63  }
0x7e: {  	s17 =	simm.s32 $0xE200  }
0x7f: {  	[hbm4b:s5+s2] =	stream.indirect_vreg.scatter [tilespmem:s17], [sflag:$0x4], $0x80, v3, vm0, $0xb8;
	[tilespmem:$0x18200] =	vst v63  }
0x80: {  	s17 =	simm.s32 $0xEA00  }
0x81: {  	[hbm4b:s6+s2] =	stream.indirect_vreg.scatter [tilespmem:s17], [sflag:$0x4], $0x80, v3, vm0, $0xb8;
	[tilespmem:$0x18200] =	vst v63  }
0x82: {  	v3 =	vld [tilespmem:$0x90];
	_ =	sdelay $0x4  }
0x83: {  	v53 =	vshrl.u32 v3, $0x3  }
0x84: {  	v4 =	vmul.u32 $0x30, v53  }
0x85: {  	v3 =	vand.u32 $0x7, v3  }
0x86: {  	v3 =	vor.u32 v3, v4  }
0x87: {  	v4 =	vperm.xlane v3, v0;
	_ =	sdelay $0x1  }
0x88: {  	v4 =	vadd.s32 v1, v4;
	_ =	sdelay $0x3  }
0x89: {  	s17 =	simm.s32 $0xF200;
	v3 =	vperm.xlane v3, v2  }
0x8a: {  	[hbm4b:s3+s2] =	stream.indirect_vreg.scatter [tilespmem:s17], [sflag:$0x4], $0x80, v4, vm0, $0xb8;
	[tilespmem:$0x18200] =	vst v63  }
0x8b: {  	v3 =	vadd.s32 v1, v3;
	s17 =	simm.s32 $0xFA00  }
0x8c: {  	[hbm4b:s5+s2] =	stream.indirect_vreg.scatter [tilespmem:s17], [sflag:$0x4], $0x80, v4, vm0, $0xb8;
	[tilespmem:$0x18200] =	vst v63  }
0x8d: {  	s17 =	simm.s32 $0x10200  }
0x8e: {  	[hbm4b:s6+s2] =	stream.indirect_vreg.scatter [tilespmem:s17], [sflag:$0x4], $0x80, v4, vm0, $0xb8;
	[tilespmem:$0x18200] =	vst v63  }
0x8f: {  	s17 =	simm.s32 $0x10A00  }
0x90: {  	[hbm4b:s3+s2] =	stream.indirect_vreg.scatter [tilespmem:s17], [sflag:$0x4], $0x80, v3, vm0, $0xb8;
	[tilespmem:$0x18200] =	vst v63  }
0x91: {  	s17 =	simm.s32 $0x11200  }
0x92: {  	[hbm4b:s5+s2] =	stream.indirect_vreg.scatter [tilespmem:s17], [sflag:$0x4], $0x80, v3, vm0, $0xb8;
	[tilespmem:$0x18200] =	vst v63  }
0x93: {  	s17 =	simm.s32 $0x11A00  }
0x94: {  	[hbm4b:s6+s2] =	stream.indirect_vreg.scatter [tilespmem:s17], [sflag:$0x4], $0x80, v3, vm0, $0xb8;
	[tilespmem:$0x18200] =	vst v63  }
0x95: {  	v3 =	vld [tilespmem:$0xA0];
	_ =	sdelay $0x4  }
0x96: {  	v54 =	vshrl.u32 v3, $0x3  }
0x97: {  	v4 =	vmul.u32 $0x30, v54  }
0x98: {  	v3 =	vand.u32 $0x7, v3  }
0x99: {  	v3 =	vor.u32 v3, v4  }
0x9a: {  	v4 =	vperm.xlane v3, v0;
	_ =	sdelay $0x1  }
0x9b: {  	v4 =	vadd.s32 v1, v4;
	_ =	sdelay $0x3  }
0x9c: {  	s17 =	simm.s32 $0x12200;
	v3 =	vperm.xlane v3, v2  }
0x9d: {  	[hbm4b:s3+s2] =	stream.indirect_vreg.scatter [tilespmem:s17], [sflag:$0x4], $0x80, v4, vm0, $0xb8;
	[tilespmem:$0x18200] =	vst v63  }
0x9e: {  	v3 =	vadd.s32 v1, v3;
	s17 =	simm.s32 $0x12A00  }
0x9f: {  	[hbm4b:s5+s2] =	stream.indirect_vreg.scatter [tilespmem:s17], [sflag:$0x4], $0x80, v4, vm0, $0xb8;
	[tilespmem:$0x18200] =	vst v63  }
0xa0: {  	s17 =	simm.s32 $0x13200  }
0xa1: {  	[hbm4b:s6+s2] =	stream.indirect_vreg.scatter [tilespmem:s17], [sflag:$0x4], $0x80, v4, vm0, $0xb8;
	[tilespmem:$0x18200] =	vst v63  }
0xa2: {  	s17 =	simm.s32 $0x13A00  }
0xa3: {  	[hbm4b:s3+s2] =	stream.indirect_vreg.scatter [tilespmem:s17], [sflag:$0x4], $0x80, v3, vm0, $0xb8;
	[tilespmem:$0x18200] =	vst v63  }
0xa4: {  	s17 =	simm.s32 $0x14200  }
0xa5: {  	[hbm4b:s5+s2] =	stream.indirect_vreg.scatter [tilespmem:s17], [sflag:$0x4], $0x80, v3, vm0, $0xb8;
	[tilespmem:$0x18200] =	vst v63  }
0xa6: {  	s17 =	simm.s32 $0x14A00  }
0xa7: {  	[hbm4b:s6+s2] =	stream.indirect_vreg.scatter [tilespmem:s17], [sflag:$0x4], $0x80, v3, vm0, $0xb8;
	[tilespmem:$0x18200] =	vst v63  }
0xa8: {  	v3 =	vld [tilespmem:$0xB0];
	_ =	sdelay $0x4  }
0xa9: {  	v55 =	vshrl.u32 v3, $0x3  }
0xaa: {  	v4 =	vmul.u32 $0x30, v55  }
0xab: {  	v3 =	vand.u32 $0x7, v3  }
0xac: {  	v3 =	vor.u32 v3, v4  }
0xad: {  	v4 =	vperm.xlane v3, v0;
	_ =	sdelay $0x1  }
0xae: {  	v4 =	vadd.s32 v1, v4;
	_ =	sdelay $0x3  }
0xaf: {  	s17 =	simm.s32 $0x15200;
	v3 =	vperm.xlane v3, v2  }
0xb0: {  	[hbm4b:s3+s2] =	stream.indirect_vreg.scatter [tilespmem:s17], [sflag:$0x4], $0x80, v4, vm0, $0xb8;
	[tilespmem:$0x18200] =	vst v63  }
0xb1: {  	v3 =	vadd.s32 v1, v3;
	s17 =	simm.s32 $0x15A00  }
0xb2: {  	[hbm4b:s5+s2] =	stream.indirect_vreg.scatter [tilespmem:s17], [sflag:$0x4], $0x80, v4, vm0, $0xb8;
	[tilespmem:$0x18200] =	vst v63  }
0xb3: {  	s17 =	simm.s32 $0x16200  }
0xb4: {  	[hbm4b:s6+s2] =	stream.indirect_vreg.scatter [tilespmem:s17], [sflag:$0x4], $0x80, v4, vm0, $0xb8;
	[tilespmem:$0x18200] =	vst v63  }
0xb5: {  	s17 =	simm.s32 $0x16A00  }
0xb6: {  	[hbm4b:s3+s2] =	stream.indirect_vreg.scatter [tilespmem:s17], [sflag:$0x4], $0x80, v3, vm0, $0xb8;
	[tilespmem:$0x18200] =	vst v63  }
0xb7: {  	s17 =	simm.s32 $0x17200  }
0xb8: {  	[hbm4b:s5+s2] =	stream.indirect_vreg.scatter [tilespmem:s17], [sflag:$0x4], $0x80, v3, vm0, $0xb8;
	[tilespmem:$0x18200] =	vst v63  }
0xb9: {  	s17 =	simm.s32 $0x17A00  }
0xba: {  	[hbm4b:s6+s2] =	stream.indirect_vreg.scatter [tilespmem:s17], [sflag:$0x4], $0x80, v3, vm0, $0xb8;
	[tilespmem:$0x18200] =	vst v63  }
0xbb: {  	_ =	swait.ge [sflag:s4], $0xC000  }
0xbc: {  	[sflag:s4] =	ssyncset.done $0x0  }
0xbd: {  	s17 =	rddreg [dreg:$0x6];
	[sflag:s4] =	ssyncadd.s32 $0xFFFF4000  }
0xbe: {  	[tilespmem:s11], [sflag:$0x1] =	stream.linear.gather [hbm4b:s17+s2], $0xC000, $0x38;
	[tilespmem:$0x18200] =	vst v63  }
0xbf: {  	_ =	swait.ge [sflag:s12], $0xC000  }
0xc0: {  	[sflag:s12] =	ssyncset.done $0x0  }
0xc1: {  	[sflag:s12] =	ssyncadd.s32 $0xFFFF4000  }
0xc2: {  	v3 =	vld [tilespmem:$0x100];
	_ =	sdelay $0x4  }
0xc3: {  	v56 =	vshrl.u32 v3, $0x3  }
0xc4: {  	v4 =	vmul.u32 $0x30, v56  }
0xc5: {  	v3 =	vand.u32 $0x7, v3  }
0xc6: {  	v3 =	vor.u32 v3, v4  }
0xc7: {  	v4 =	vperm.xlane v3, v0;
	_ =	sdelay $0x1  }
0xc8: {  	v4 =	vadd.s32 v1, v4;
	_ =	sdelay $0x3  }
0xc9: {  	v3 =	vperm.xlane v3, v2  }
0xca: {  	[hbm4b:s3+s2] =	stream.indirect_vreg.scatter [tilespmem:s11], [sflag:$0x3], $0x80, v4, vm0, $0xb8;
	[tilespmem:$0x18200] =	vst v63  }
0xcb: {  	v3 =	vadd.s32 v1, v3  }
0xcc: {  	[hbm4b:s5+s2] =	stream.indirect_vreg.scatter [tilespmem:s18], [sflag:$0x3], $0x80, v4, vm0, $0xb8;
	[tilespmem:$0x18200] =	vst v63  }
0xcd: {  	_ = 	snop  }
0xce: {  	[hbm4b:s6+s2] =	stream.indirect_vreg.scatter [tilespmem:s19], [sflag:$0x3], $0x80, v4, vm0, $0xb8;
	[tilespmem:$0x18200] =	vst v63  }
0xcf: {  	_ = 	snop  }
0xd0: {  	[hbm4b:s3+s2] =	stream.indirect_vreg.scatter [tilespmem:s20], [sflag:$0x3], $0x80, v3, vm0, $0xb8;
	[tilespmem:$0x18200] =	vst v63  }
0xd1: {  	_ = 	snop  }
0xd2: {  	[hbm4b:s5+s2] =	stream.indirect_vreg.scatter [tilespmem:s21], [sflag:$0x3], $0x80, v3, vm0, $0xb8;
	[tilespmem:$0x18200] =	vst v63  }
0xd3: {  	_ = 	snop  }
0xd4: {  	[hbm4b:s6+s2] =	stream.indirect_vreg.scatter [tilespmem:s22], [sflag:$0x3], $0x80, v3, vm0, $0xb8;
	[tilespmem:$0x18200] =	vst v63  }
0xd5: {  	v3 =	vld [tilespmem:$0x110];
	_ =	sdelay $0x4  }
0xd6: {  	v57 =	vshrl.u32 v3, $0x3  }
0xd7: {  	v4 =	vmul.u32 $0x30, v57  }
0xd8: {  	v3 =	vand.u32 $0x7, v3  }
0xd9: {  	v3 =	vor.u32 v3, v4  }
0xda: {  	v4 =	vperm.xlane v3, v0;
	_ =	sdelay $0x1  }
0xdb: {  	v4 =	vadd.s32 v1, v4;
	_ =	sdelay $0x3  }
0xdc: {  	v3 =	vperm.xlane v3, v2  }
0xdd: {  	[hbm4b:s3+s2] =	stream.indirect_vreg.scatter [tilespmem:s23], [sflag:$0x3], $0x80, v4, vm0, $0xb8;
	[tilespmem:$0x18200] =	vst v63  }
0xde: {  	v3 =	vadd.s32 v1, v3  }
0xdf: {  	[hbm4b:s5+s2] =	stream.indirect_vreg.scatter [tilespmem:s24], [sflag:$0x3], $0x80, v4, vm0, $0xb8;
	[tilespmem:$0x18200] =	vst v63  }
0xe0: {  	_ = 	snop  }
0xe1: {  	[hbm4b:s6+s2] =	stream.indirect_vreg.scatter [tilespmem:s25], [sflag:$0x3], $0x80, v4, vm0, $0xb8;
	[tilespmem:$0x18200] =	vst v63  }
0xe2: {  	_ = 	snop  }
0xe3: {  	[hbm4b:s3+s2] =	stream.indirect_vreg.scatter [tilespmem:s26], [sflag:$0x3], $0x80, v3, vm0, $0xb8;
	[tilespmem:$0x18200] =	vst v63  }
0xe4: {  	_ = 	snop  }
0xe5: {  	[hbm4b:s5+s2] =	stream.indirect_vreg.scatter [tilespmem:s28], [sflag:$0x3], $0x80, v3, vm0, $0xb8;
	[tilespmem:$0x18200] =	vst v63  }
0xe6: {  	_ = 	snop  }
0xe7: {  	[hbm4b:s6+s2] =	stream.indirect_vreg.scatter [tilespmem:s29], [sflag:$0x3], $0x80, v3, vm0, $0xb8;
	[tilespmem:$0x18200] =	vst v63  }
0xe8: {  	v3 =	vld [tilespmem:$0x120];
	_ =	sdelay $0x4  }
0xe9: {  	v58 =	vshrl.u32 v3, $0x3  }
0xea: {  	v4 =	vmul.u32 $0x30, v58  }
0xeb: {  	v3 =	vand.u32 $0x7, v3  }
0xec: {  	v3 =	vor.u32 v3, v4  }
0xed: {  	v4 =	vperm.xlane v3, v0;
	_ =	sdelay $0x1  }
0xee: {  	v4 =	vadd.s32 v1, v4;
	_ =	sdelay $0x3  }
0xef: {  	v3 =	vperm.xlane v3, v2  }
0xf0: {  	[hbm4b:s3+s2] =	stream.indirect_vreg.scatter [tilespmem:s30], [sflag:$0x3], $0x80, v4, vm0, $0xb8;
	[tilespmem:$0x18200] =	vst v63  }
0xf1: {  	v3 =	vadd.s32 v1, v3  }
0xf2: {  	[hbm4b:s5+s2] =	stream.indirect_vreg.scatter [tilespmem:s31], [sflag:$0x3], $0x80, v4, vm0, $0xb8;
	[tilespmem:$0x18200] =	vst v63  }
0xf3: {  	s17 =	simm.s32 $0x7200  }
0xf4: {  	[hbm4b:s6+s2] =	stream.indirect_vreg.scatter [tilespmem:s17], [sflag:$0x3], $0x80, v4, vm0, $0xb8;
	[tilespmem:$0x18200] =	vst v63  }
0xf5: {  	s17 =	simm.s32 $0x7A00  }
0xf6: {  	[hbm4b:s3+s2] =	stream.indirect_vreg.scatter [tilespmem:s17], [sflag:$0x3], $0x80, v3, vm0, $0xb8;
	[tilespmem:$0x18200] =	vst v63  }
0xf7: {  	s17 =	simm.s32 $0x8200  }
0xf8: {  	[hbm4b:s5+s2] =	stream.indirect_vreg.scatter [tilespmem:s17], [sflag:$0x3], $0x80, v3, vm0, $0xb8;
	[tilespmem:$0x18200] =	vst v63  }
0xf9: {  	_ = 	snop  }
0xfa: {  	[hbm4b:s6+s2] =	stream.indirect_vreg.scatter [tilespmem:s13], [sflag:$0x3], $0x80, v3, vm0, $0xb8;
	[tilespmem:$0x18200] =	vst v63  }
0xfb: {  	v3 =	vld [tilespmem:$0x130];
	_ =	sdelay $0x4  }
0xfc: {  	v59 =	vshrl.u32 v3, $0x3  }
0xfd: {  	v4 =	vmul.u32 $0x30, v59  }
0xfe: {  	v3 =	vand.u32 $0x7, v3  }
0xff: {  	v3 =	vor.u32 v3, v4  }
0x100: {  	v4 =	vperm.xlane v3, v0;
	_ =	sdelay $0x1  }
0x101: {  	v4 =	vadd.s32 v1, v4;
	_ =	sdelay $0x3  }
0x102: {  	v3 =	vperm.xlane v3, v2  }
0x103: {  	[hbm4b:s3+s2] =	stream.indirect_vreg.scatter [tilespmem:s14], [sflag:$0x3], $0x80, v4, vm0, $0xb8;
	[tilespmem:$0x18200] =	vst v63  }
0x104: {  	v3 =	vadd.s32 v1, v3  }
0x105: {  	[hbm4b:s5+s2] =	stream.indirect_vreg.scatter [tilespmem:s8], [sflag:$0x3], $0x80, v4, vm0, $0xb8;
	[tilespmem:$0x18200] =	vst v63  }
0x106: {  	_ = 	snop  }
0x107: {  	[hbm4b:s6+s2] =	stream.indirect_vreg.scatter [tilespmem:s9], [sflag:$0x3], $0x80, v4, vm0, $0xb8;
	[tilespmem:$0x18200] =	vst v63  }
0x108: {  	_ = 	snop  }
0x109: {  	[hbm4b:s3+s2] =	stream.indirect_vreg.scatter [tilespmem:s10], [sflag:$0x3], $0x80, v3, vm0, $0xb8;
	[tilespmem:$0x18200] =	vst v63  }
0x10a: {  	s17 =	simm.s32 $0xB200  }
0x10b: {  	[hbm4b:s5+s2] =	stream.indirect_vreg.scatter [tilespmem:s17], [sflag:$0x3], $0x80, v3, vm0, $0xb8;
	[tilespmem:$0x18200] =	vst v63  }
0x10c: {  	_ = 	snop  }
0x10d: {  	[hbm4b:s6+s2] =	stream.indirect_vreg.scatter [tilespmem:s1], [sflag:$0x3], $0x80, v3, vm0, $0xb8;
	[tilespmem:$0x18200] =	vst v63  }
0x10e: {  	_ =	swait.ge [sflag:s16], $0xC000  }
0x10f: {  	[sflag:s16] =	ssyncset.done $0x0  }
0x110: {  	s8 =	rddreg [dreg:$0x7];
	[sflag:s16] =	ssyncadd.s32 $0xFFFF4000  }
0x111: {  	[tilespmem:s0], [sflag:$0x2] =	stream.linear.gather [hbm4b:s8+s2], $0xC000, $0x38;
	[tilespmem:$0x18200] =	vst v63  }
0x112: {  	_ =	swait.ge [sflag:s15], $0xC000  }
0x113: {  	[sflag:s15] =	ssyncset.done $0x0  }
0x114: {  	[sflag:s15] =	ssyncadd.s32 $0xFFFF4000  }
0x115: {  	v3 =	vld [tilespmem:$0x180];
	_ =	sdelay $0x4  }
0x116: {  	v60 =	vshrl.u32 v3, $0x3  }
0x117: {  	v4 =	vmul.u32 $0x30, v60  }
0x118: {  	v3 =	vand.u32 $0x7, v3  }
0x119: {  	v3 =	vor.u32 v3, v4  }
0x11a: {  	v4 =	vperm.xlane v3, v0;
	_ =	sdelay $0x1  }
0x11b: {  	v4 =	vadd.s32 v1, v4;
	_ =	sdelay $0x3  }
0x11c: {  	v3 =	vperm.xlane v3, v2  }
0x11d: {  	[hbm4b:s3+s2] =	stream.indirect_vreg.scatter [tilespmem:s0], [sflag:$0x4], $0x80, v4, vm0, $0xb8;
	[tilespmem:$0x18200] =	vst v63  }
0x11e: {  	s11 =	simm.s32 $0xCA00;
	v3 =	vadd.s32 v1, v3  }
0x11f: {  	[hbm4b:s5+s2] =	stream.indirect_vreg.scatter [tilespmem:s11], [sflag:$0x4], $0x80, v4, vm0, $0xb8;
	[tilespmem:$0x18200] =	vst v63  }
0x120: {  	s17 =	simm.s32 $0xD200  }
0x121: {  	[hbm4b:s6+s2] =	stream.indirect_vreg.scatter [tilespmem:s17], [sflag:$0x4], $0x80, v4, vm0, $0xb8;
	[tilespmem:$0x18200] =	vst v63  }
0x122: {  	s8 =	simm.s32 $0xDA00  }
0x123: {  	[hbm4b:s3+s2] =	stream.indirect_vreg.scatter [tilespmem:s8], [sflag:$0x4], $0x80, v3, vm0, $0xb8;
	[tilespmem:$0x18200] =	vst v63  }
0x124: {  	s11 =	simm.s32 $0xE200  }
0x125: {  	[hbm4b:s5+s2] =	stream.indirect_vreg.scatter [tilespmem:s11], [sflag:$0x4], $0x80, v3, vm0, $0xb8;
	[tilespmem:$0x18200] =	vst v63  }
0x126: {  	s17 =	simm.s32 $0xEA00  }
0x127: {  	[hbm4b:s6+s2] =	stream.indirect_vreg.scatter [tilespmem:s17], [sflag:$0x4], $0x80, v3, vm0, $0xb8;
	[tilespmem:$0x18200] =	vst v63  }
0x128: {  	v3 =	vld [tilespmem:$0x190];
	_ =	sdelay $0x4  }
0x129: {  	v61 =	vshrl.u32 v3, $0x3  }
0x12a: {  	v4 =	vmul.u32 $0x30, v61  }
0x12b: {  	v3 =	vand.u32 $0x7, v3  }
0x12c: {  	v3 =	vor.u32 v3, v4  }
0x12d: {  	v4 =	vperm.xlane v3, v0;
	_ =	sdelay $0x1  }
0x12e: {  	v4 =	vadd.s32 v1, v4;
	_ =	sdelay $0x3  }
0x12f: {  	s8 =	simm.s32 $0xF200;
	v3 =	vperm.xlane v3, v2  }
0x130: {  	[hbm4b:s3+s2] =	stream.indirect_vreg.scatter [tilespmem:s8], [sflag:$0x4], $0x80, v4, vm0, $0xb8;
	[tilespmem:$0x18200] =	vst v63  }
0x131: {  	s11 =	simm.s32 $0xFA00;
	v3 =	vadd.s32 v1, v3  }
0x132: {  	[hbm4b:s5+s2] =	stream.indirect_vreg.scatter [tilespmem:s11], [sflag:$0x4], $0x80, v4, vm0, $0xb8;
	[tilespmem:$0x18200] =	vst v63  }
0x133: {  	s17 =	simm.s32 $0x10200  }
0x134: {  	[hbm4b:s6+s2] =	stream.indirect_vreg.scatter [tilespmem:s17], [sflag:$0x4], $0x80, v4, vm0, $0xb8;
	[tilespmem:$0x18200] =	vst v63  }
0x135: {  	s8 =	simm.s32 $0x10A00  }
0x136: {  	[hbm4b:s3+s2] =	stream.indirect_vreg.scatter [tilespmem:s8], [sflag:$0x4], $0x80, v3, vm0, $0xb8;
	[tilespmem:$0x18200] =	vst v63  }
0x137: {  	s11 =	simm.s32 $0x11200  }
0x138: {  	[hbm4b:s5+s2] =	stream.indirect_vreg.scatter [tilespmem:s11], [sflag:$0x4], $0x80, v3, vm0, $0xb8;
	[tilespmem:$0x18200] =	vst v63  }
0x139: {  	s17 =	simm.s32 $0x11A00  }
0x13a: {  	[hbm4b:s6+s2] =	stream.indirect_vreg.scatter [tilespmem:s17], [sflag:$0x4], $0x80, v3, vm0, $0xb8;
	[tilespmem:$0x18200] =	vst v63  }
0x13b: {  	v3 =	vld [tilespmem:$0x1A0];
	_ =	sdelay $0x4  }
0x13c: {  	v62 =	vshrl.u32 v3, $0x3  }
0x13d: {  	v4 =	vmul.u32 $0x30, v62  }
0x13e: {  	v3 =	vand.u32 $0x7, v3  }
0x13f: {  	v3 =	vor.u32 v3, v4  }
0x140: {  	v4 =	vperm.xlane v3, v0;
	_ =	sdelay $0x1  }
0x141: {  	v4 =	vadd.s32 v1, v4;
	_ =	sdelay $0x3  }
0x142: {  	s8 =	simm.s32 $0x12200;
	v3 =	vperm.xlane v3, v2  }
0x143: {  	[hbm4b:s3+s2] =	stream.indirect_vreg.scatter [tilespmem:s8], [sflag:$0x4], $0x80, v4, vm0, $0xb8;
	[tilespmem:$0x18200] =	vst v63  }
0x144: {  	s11 =	simm.s32 $0x12A00;
	v3 =	vadd.s32 v1, v3  }
0x145: {  	[hbm4b:s5+s2] =	stream.indirect_vreg.scatter [tilespmem:s11], [sflag:$0x4], $0x80, v4, vm0, $0xb8;
	[tilespmem:$0x18200] =	vst v63  }
0x146: {  	s17 =	simm.s32 $0x13200  }
0x147: {  	[hbm4b:s6+s2] =	stream.indirect_vreg.scatter [tilespmem:s17], [sflag:$0x4], $0x80, v4, vm0, $0xb8;
	[tilespmem:$0x18200] =	vst v63  }
0x148: {  	s8 =	simm.s32 $0x13A00  }
0x149: {  	[hbm4b:s3+s2] =	stream.indirect_vreg.scatter [tilespmem:s8], [sflag:$0x4], $0x80, v3, vm0, $0xb8;
	[tilespmem:$0x18200] =	vst v63  }
0x14a: {  	s11 =	simm.s32 $0x14200  }
0x14b: {  	[hbm4b:s5+s2] =	stream.indirect_vreg.scatter [tilespmem:s11], [sflag:$0x4], $0x80, v3, vm0, $0xb8;
	[tilespmem:$0x18200] =	vst v63  }
0x14c: {  	s17 =	simm.s32 $0x14A00  }
0x14d: {  	[hbm4b:s6+s2] =	stream.indirect_vreg.scatter [tilespmem:s17], [sflag:$0x4], $0x80, v3, vm0, $0xb8;
	[tilespmem:$0x18200] =	vst v63  }
0x14e: {  	v3 =	vld [tilespmem:$0x1B0];
	_ =	sdelay $0x4  }
0x14f: {  	v63 =	vshrl.u32 v3, $0x3  }
0x150: {  	v4 =	vmul.u32 $0x30, v63  }
0x151: {  	v3 =	vand.u32 $0x7, v3  }
0x152: {  	v3 =	vor.u32 v3, v4  }
0x153: {  	v4 =	vperm.xlane v3, v0;
	_ =	sdelay $0x1  }
0x154: {  	v4 =	vadd.s32 v1, v4;
	_ =	sdelay $0x3  }
0x155: {  	s8 =	simm.s32 $0x15200;
	v3 =	vperm.xlane v3, v2  }
0x156: {  	[hbm4b:s3+s2] =	stream.indirect_vreg.scatter [tilespmem:s8], [sflag:$0x4], $0x80, v4, vm0, $0xb8;
	[tilespmem:$0x18200] =	vst v63  }
0x157: {  	s11 =	simm.s32 $0x15A00;
	v3 =	vadd.s32 v1, v3  }
0x158: {  	[hbm4b:s5+s2] =	stream.indirect_vreg.scatter [tilespmem:s11], [sflag:$0x4], $0x80, v4, vm0, $0xb8;
	[tilespmem:$0x18200] =	vst v63  }
0x159: {  	s17 =	simm.s32 $0x16200  }
0x15a: {  	[hbm4b:s6+s2] =	stream.indirect_vreg.scatter [tilespmem:s17], [sflag:$0x4], $0x80, v4, vm0, $0xb8;
	[tilespmem:$0x18200] =	vst v63  }
0x15b: {  	s8 =	simm.s32 $0x16A00  }
0x15c: {  	[hbm4b:s3+s2] =	stream.indirect_vreg.scatter [tilespmem:s8], [sflag:$0x4], $0x80, v3, vm0, $0xb8;
	[tilespmem:$0x18200] =	vst v63  }
0x15d: {  	s11 =	simm.s32 $0x17200  }
0x15e: {  	[hbm4b:s5+s2] =	stream.indirect_vreg.scatter [tilespmem:s11], [sflag:$0x4], $0x80, v3, vm0, $0xb8;
	[tilespmem:$0x18200] =	vst v63  }
0x15f: {  	s17 =	simm.s32 $0x17A00  }
0x160: {  	[hbm4b:s6+s2] =	stream.indirect_vreg.scatter [tilespmem:s17], [sflag:$0x4], $0x80, v3, vm0, $0xb8;
	[tilespmem:$0x18200] =	vst v63  }
0x161: {  	p0 =	sne.s32 s7, $0x1;
	_ =	swait.ge [sflag:s4], $0xC000  }
.Ltmp0:
0x162: {  	[sflag:s4] =	ssyncset.done $0x0;
	(pc) =	sbr.rel @p0 .LBB2_1-.Ltmp0, $4  }
0x163: {  	[sflag:s4] =	ssyncadd.s32 $0xFFFF4000  }
0x164: {  	_ =	swait.ge [sflag:s16], $0xC000  }
0x165: {  	[sflag:s16] =	ssyncset.done $0x0  }
0x166: {  	s7 =	sadd.s32 $0xFFFFFFFF, s7;
	[sflag:s16] =	ssyncadd.s32 $0xFFFF4000  }
0x167: {  	_ =	sfence.sel $0x180000  }
0x168: {  	[bflag:$0x0] =	sbarrier.arrive $0xFFFF  }
0x169: {  	_ =	strace $0x90000047  }
0x16a: {  	s0 =	stileid.u32;
	[bflag:$0x2] =	sbarrier.arrive $0xFFFF  }
0x16b: {  	p0 =	sne.s32 s0, $0x0;
	s0 =	rddreg [dreg:$0x3]  }
0x16c: {  	s0 =	sadd.s32 @!p0 $0x100000, s0  }
0x16d: {  	[sflag:s0] =	ssyncadd.tile.s32 @!p0 $0x1;
	_ =	shalt  }
.Lfunc_end2:
_tile_overlayer_lowered:
.L_overlay_start_2:
0x16e: {  	(tag) =	ssettag $0x2  }
0x16f: {  	s0 =	rddreg [dreg:$0x0];
	s2 =	stileid.u32  }
0x170: {  	s1 =	rddreg [dreg:$0x1];
	p0 =	sne.s32 s2, $0x0  }
0x171: {  	s3 =	rddreg [dreg:$0x2];
	[bflag:$0x3] =	sbarrier.arrive $0xFFFF;
	s2 =	simm.s32 @!p0 $0x1C05  }
0x172: {  	[timem:s3], [sflag:s2] =	dma.local @!p0 [hbm:s0], s1  }
0x173: {  	s0 =	simm.s32 @!p0 $0x5  }
0x174: {  	_ =	swait.ge @!p0 [sflag:s0], s1  }
0x175: {  	s1 =	ssub.s32 @!p0 $0x0, s1;
	[sflag:s0] =	ssyncset.done @!p0 $0x0  }
0x176: {  	[sflag:s0] =	ssyncadd.s32 @!p0 s1  }
0x177: {  	[bflag:$0x3] =	sbarrier.arrive $0xFFFF  }
0x178: {  	_ =	shalt  }

</sc_bundles>
